<compile_context>
chip_gen: v7x
topology: tpu7x:2x2x1
jax: 0.10.2.dev20260603
libtpu: 0.0.44.dev20260713+nightly
codegen_flags: <defaults>
</compile_context>

<pallas_src>
import functools

import jax
import jax.numpy as jnp
from jax import lax
from jax.experimental import pallas as pl
from jax.experimental.pallas import tpu as pltpu
from jax.experimental.pallas import tpu_sc as plsc

_VOCAB = 1000000
_D = 64
_DP = 128
_B = 1024
_N = 200

_NC = 2
_NS = 16
_NW = _NC * _NS
_SEQ_PER_W = _B // _NW
_LANES = 16
_NBUF = 2


def _positional_encoding(n, d):
    pos = jnp.arange(n, dtype=jnp.float32)
    two_i = 2.0 * jnp.floor(jnp.arange(d, dtype=jnp.float32) / 2.0)
    angles = pos[:, None] / jnp.power(10000.0, two_i / float(d))
    even = (jnp.arange(d) % 2) == 0
    return jnp.where(even[None, :], jnp.sin(angles), jnp.cos(angles))


_mesh = plsc.VectorSubcoreMesh(core_axis_name="c", subcore_axis_name="s")


@functools.partial(
    pl.kernel,
    mesh=_mesh,
    out_type=jax.ShapeDtypeStruct((_B * _N, _DP), jnp.float32),
    scratch_types=[
        pltpu.VMEM((_SEQ_PER_W * _N,), jnp.int32),
        pltpu.VMEM((_N, _D), jnp.float32),
        [pltpu.VMEM((_N, _DP), jnp.float32)] * _NBUF,
        [pltpu.VMEM((_N, _DP), jnp.float32)] * _NBUF,
        [pltpu.SemaphoreType.DMA] * _NBUF,
        [pltpu.SemaphoreType.DMA] * _NBUF,
    ],
    compiler_params=pltpu.CompilerParams(use_tc_tiling_on_sc=False),
)
def _embed(idx_hbm, table_hbm, enc_hbm, out_hbm, idx_v, enc_v, rows, outs, gsem, osem):
    wid = lax.axis_index("s") * _NC + lax.axis_index("c")
    base = wid * _SEQ_PER_W * _N
    pltpu.sync_copy(enc_hbm, enc_v)
    pltpu.sync_copy(idx_hbm.at[pl.ds(base, _SEQ_PER_W * _N)], idx_v)

    def start_gather(s, b):
        return pltpu.async_copy(
            table_hbm.at[idx_v.at[pl.ds(s * _N, _N)]], rows[b], gsem[b])

    def wait_gather(s, b):
        pltpu.make_async_copy(
            table_hbm.at[idx_v.at[pl.ds(s * _N, _N)]], rows[b], gsem[b]).wait()

    def start_out(s, b):
        return pltpu.async_copy(
            outs[b], out_hbm.at[pl.ds(base + s * _N, _N)], osem[b])

    def wait_out(s, b):
        pltpu.make_async_copy(
            outs[b], out_hbm.at[pl.ds(base + s * _N, _N)], osem[b]).wait()

    start_gather(0, 0)
    start_gather(1, 1)

    def iter_body(i, carry):
        for b in range(_NBUF):
            s = _NBUF * i + b
            wait_gather(s, b)

            @pl.when(i > 0)
            def _():
                wait_out(s - _NBUF, b)

            @plsc.parallel_loop(0, _N, 1, unroll=8)
            def _(r):
                for c in range(_D // _LANES):
                    sl = pl.ds(c * _LANES, _LANES)
                    outs[b][r, sl] = rows[b][r, sl] + enc_v[r, sl]

            @pl.when(i < _SEQ_PER_W // _NBUF - 1)
            def _():
                start_gather(s + _NBUF, b)

            start_out(s, b)
        return carry

    lax.fori_loop(0, _SEQ_PER_W // _NBUF, iter_body, 0)

    for b in range(_NBUF):
        wait_out(_SEQ_PER_W - _NBUF + b, b)


def kernel(x, W):
    enc = _positional_encoding(_N, _D)
    Wp = jnp.pad(W, ((0, 0), (0, _DP - _D)))
    out = _embed(x.reshape(_B * _N), Wp, enc)
    return out.reshape(_B, _N, _DP)[:, :, :_D]

# --- scband reference (transcript-rebuilt; emitter-appended) ---
"""Pipeline reference for scband-positional-embedding-40982577938510 (READ-ONLY COPY).

The authoritative reference and input builder live on the scoring server;
editing this copy changes nothing except your own understanding.
"""

import jax, jax.numpy as jnp
import numpy as np

VOCAB = 1000000
D_EMBED = 64
BATCH = 1024
SEQ = 200


def positional_encoding(n, d):
    pos = jnp.arange(n, dtype=jnp.float32)
    two_i = 2.0 * jnp.floor(jnp.arange(d, dtype=jnp.float32) / 2.0)
    angles = pos[:, None] / jnp.power(10000.0, two_i / float(d))
    even = (jnp.arange(d) % 2) == 0
    return jnp.where(even[None, :], jnp.sin(angles), jnp.cos(angles))


def setup_inputs(seed: int = 0) -> dict:
    key = jax.random.key(seed)
    k1, k2 = jax.random.split(key)
    x = jax.random.randint(k1, (BATCH, SEQ), 0, VOCAB, dtype=jnp.int32)
    W = jax.random.normal(k2, (VOCAB, D_EMBED), dtype=jnp.float32)
    return {"x": x, "W": W}


def reference(x, W):
    # embedding lookup (gather)
    y = jnp.take(W, x, axis=0)  # [B, N, D]
    n = x.shape[1]
    d = W.shape[1]
    enc = positional_encoding(n, d)  # [N, D]
    # broadcast add over batch (equivalent to unsqueeze(0).repeat(b,1,1))
    y = y + enc[None, :, :].astype(y.dtype)
    return y

if __name__ == "__main__":
    import jax
    _d = setup_inputs()
    print(jax.jit(kernel)(*tuple(_d.values())))

</pallas_src>

<mosaic_0001>
#map = affine_map<(d0, d1) -> (0)>
#map1 = affine_map<(d0, d1) -> (0, 0)>
module attributes {stable_mosaic.version = 14 : i64} {
  func.func @_embed(%arg0: i32, %arg1: i32, %arg2: memref<204800xi32, #tpu.memory_space<hbm>>, %arg3: memref<1000000x128xf32, #tpu.memory_space<hbm>>, %arg4: memref<200x64xf32, #tpu.memory_space<hbm>>, %arg5: memref<204800x128xf32, #tpu.memory_space<hbm>>, %arg6: memref<6400xi32, #tpu.memory_space<vmem>>, %arg7: memref<200x64xf32, #tpu.memory_space<vmem>>, %arg8: memref<200x128xf32, #tpu.memory_space<vmem>>, %arg9: memref<200x128xf32, #tpu.memory_space<vmem>>, %arg10: memref<200x128xf32, #tpu.memory_space<vmem>>, %arg11: memref<200x128xf32, #tpu.memory_space<vmem>>, %arg12: memref<!tpu.dma_semaphore, #tpu.memory_space<semaphore_mem>>, %arg13: memref<!tpu.dma_semaphore, #tpu.memory_space<semaphore_mem>>, %arg14: memref<!tpu.dma_semaphore, #tpu.memory_space<semaphore_mem>>, %arg15: memref<!tpu.dma_semaphore, #tpu.memory_space<semaphore_mem>>) attributes {dimension_semantics = [#tpu.dimension_semantics<core_parallel>, #tpu.dimension_semantics<subcore_parallel>], iteration_bounds = array<i64: 2, 16>, scalar_prefetch = 0 : i64, scratch_operands = 10 : i64, tpu.core_type = #tpu.core_type<sc_vector_subcore>, window_params = [{transform_indices = #map}, {transform_indices = #map1}, {transform_indices = #map1}, {transform_indices = #map1}]} {
    %mul3A = arith.constant 2 : i32
    %mul3A_0 = arith.muli %arg1, %mul3A : i32
    %add3A = arith.addi %mul3A_0, %arg0 : i32
    %mul3A_1 = arith.constant 32 : i32
    %mul3A_2 = arith.muli %add3A, %mul3A_1 : i32
    %mul3A_3 = arith.constant 200 : i32
    %mul3A_4 = arith.muli %mul3A_2, %mul3A_3 : i32
    "tpu.region"() ({
      %run_scoped3A = tpu.sem_alloc : memref<!tpu.dma_semaphore, #tpu.memory_space<semaphore_mem>>
      tpu.enqueue_dma source(%arg4 : memref<200x64xf32, #tpu.memory_space<hbm>>) target(%arg7 : memref<200x64xf32, #tpu.memory_space<vmem>>) target_semaphore(%run_scoped3A : memref<!tpu.dma_semaphore, #tpu.memory_space<semaphore_mem>>)
      tpu.wait_dma2 semaphore(%run_scoped3A : memref<!tpu.dma_semaphore, #tpu.memory_space<semaphore_mem>>) src(%arg4 : memref<200x64xf32, #tpu.memory_space<hbm>>) dst(%arg7 : memref<200x64xf32, #tpu.memory_space<vmem>>)
      tpu.yield
    }) : () -> ()
    "tpu.region"() ({
      %run_scoped3A = tpu.sem_alloc : memref<!tpu.dma_semaphore, #tpu.memory_space<semaphore_mem>>
      %dma_start3A_30 = tpu.memref_slice %arg2[%mul3A_4] : memref<204800xi32, #tpu.memory_space<hbm>> -> memref<6400xi32, #tpu.memory_space<hbm>>
      %dma_start3A_31 = tpu.memref_slice %arg2[%mul3A_4] : memref<204800xi32, #tpu.memory_space<hbm>> -> memref<6400xi32, #tpu.memory_space<hbm>>
      tpu.enqueue_dma source(%dma_start3A_31 : memref<6400xi32, #tpu.memory_space<hbm>>) target(%arg6 : memref<6400xi32, #tpu.memory_space<vmem>>) target_semaphore(%run_scoped3A : memref<!tpu.dma_semaphore, #tpu.memory_space<semaphore_mem>>)
      %dma_wait3A_32 = tpu.memref_slice %arg2[%mul3A_4] : memref<204800xi32, #tpu.memory_space<hbm>> -> memref<6400xi32, #tpu.memory_space<hbm>>
      %dma_wait3A_33 = tpu.memref_slice %arg2[%mul3A_4] : memref<204800xi32, #tpu.memory_space<hbm>> -> memref<6400xi32, #tpu.memory_space<hbm>>
      tpu.wait_dma2 semaphore(%run_scoped3A : memref<!tpu.dma_semaphore, #tpu.memory_space<semaphore_mem>>) src(%dma_wait3A_33 : memref<6400xi32, #tpu.memory_space<hbm>>) dst(%arg6 : memref<6400xi32, #tpu.memory_space<vmem>>)
      tpu.yield
    }) : () -> ()
    %dma_start3A = arith.constant 0 : i32
    %dma_start3A_5 = tpu.memref_slice %arg6[%dma_start3A] : memref<6400xi32, #tpu.memory_space<vmem>> -> memref<200xi32, #tpu.memory_space<vmem>>
    %dma_start3A_6 = arith.constant 0 : i32
    %dma_start3A_7 = arith.constant 0 : i32
    %dma_start3A_8 = tpu.memref_slice %arg3[%dma_start3A_6, %dma_start3A_7] : memref<1000000x128xf32, #tpu.memory_space<hbm>> -> memref<1000000x128xf32, #tpu.memory_space<hbm>>
    tpu.enqueue_indirect_dma source(%dma_start3A_8 : memref<1000000x128xf32, #tpu.memory_space<hbm>>) target(%arg8 : memref<200x128xf32, #tpu.memory_space<vmem>>) offsets(%dma_start3A_5 : memref<200xi32, #tpu.memory_space<vmem>>) semaphore(%arg12 : memref<!tpu.dma_semaphore, #tpu.memory_space<semaphore_mem>>)
    %dma_start3A_9 = arith.constant 200 : i32
    %dma_start3A_10 = tpu.memref_slice %arg6[%dma_start3A_9] : memref<6400xi32, #tpu.memory_space<vmem>> -> memref<200xi32, #tpu.memory_space<vmem>>
    %dma_start3A_11 = arith.constant 0 : i32
    %dma_start3A_12 = arith.constant 0 : i32
    %dma_start3A_13 = tpu.memref_slice %arg3[%dma_start3A_11, %dma_start3A_12] : memref<1000000x128xf32, #tpu.memory_space<hbm>> -> memref<1000000x128xf32, #tpu.memory_space<hbm>>
    tpu.enqueue_indirect_dma source(%dma_start3A_13 : memref<1000000x128xf32, #tpu.memory_space<hbm>>) target(%arg9 : memref<200x128xf32, #tpu.memory_space<vmem>>) offsets(%dma_start3A_10 : memref<200xi32, #tpu.memory_space<vmem>>) semaphore(%arg13 : memref<!tpu.dma_semaphore, #tpu.memory_space<semaphore_mem>>)
    %scan3A = arith.constant 0 : i32
    %scan3A_14 = arith.constant 0 : i32
    %scan3A_15 = arith.constant 16 : i32
    %scan3A_16 = arith.addi %scan3A_14, %scan3A_15 : i32
    %scan3A_17 = arith.constant 1 : i32
    scf.for %scan3A_30 = %scan3A_14 to %scan3A_16 step %scan3A_17  : i32 {
      %mul3A_31 = arith.constant 2 : i32
      %mul3A_32 = arith.muli %mul3A_31, %scan3A_30 : i32
      %add3A_33 = arith.constant 0 : i32
      %add3A_34 = arith.addi %mul3A_32, %add3A_33 : i32
      %mul3A_35 = arith.constant 200 : i32
      %mul3A_36 = arith.muli %add3A_34, %mul3A_35 : i32
      %dma_wait3A_37 = tpu.memref_slice %arg6[%mul3A_36] : memref<6400xi32, #tpu.memory_space<vmem>> -> memref<200xi32, #tpu.memory_space<vmem>>
      %dma_wait3A_38 = arith.constant 0 : i32
      %dma_wait3A_39 = arith.constant 0 : i32
      %dma_wait3A_40 = tpu.memref_slice %arg3[%dma_wait3A_38, %dma_wait3A_39] : memref<1000000x128xf32, #tpu.memory_space<hbm>> -> memref<1000000x128xf32, #tpu.memory_space<hbm>>
      tpu.wait_indirect_dma semaphore(%arg12 : memref<!tpu.dma_semaphore, #tpu.memory_space<semaphore_mem>>) src(%dma_wait3A_40 : memref<1000000x128xf32, #tpu.memory_space<hbm>>) dst(%arg8 : memref<200x128xf32, #tpu.memory_space<vmem>>)
      %gt3A = arith.constant 0 : i32
      %gt3A_41 = arith.cmpi sgt, %scan3A_30, %gt3A : i32
      %convert_element_type3A = arith.extui %gt3A_41 : i1 to i32
      %cond3A = arith.constant 0 : i32
      %cond3A_42 = arith.cmpi ne, %convert_element_type3A, %cond3A : i32
      scf.if %cond3A_42 {
        %sub3A = arith.constant 2 : i32
        %sub3A_86 = arith.subi %add3A_34, %sub3A : i32
        %mul3A_87 = arith.constant 200 : i32
        %mul3A_88 = arith.muli %sub3A_86, %mul3A_87 : i32
        %add3A_89 = arith.addi %mul3A_4, %mul3A_88 : i32
        %dma_wait3A_90 = arith.constant 0 : i32
        %dma_wait3A_91 = tpu.memref_slice %arg5[%add3A_89, %dma_wait3A_90] : memref<204800x128xf32, #tpu.memory_space<hbm>> -> memref<200x128xf32, #tpu.memory_space<hbm>>
        %dma_wait3A_92 = arith.constant 0 : i32
        %dma_wait3A_93 = tpu.memref_slice %arg5[%add3A_89, %dma_wait3A_92] : memref<204800x128xf32, #tpu.memory_space<hbm>> -> memref<200x128xf32, #tpu.memory_space<hbm>>
        tpu.wait_dma2 semaphore(%arg14 : memref<!tpu.dma_semaphore, #tpu.memory_space<semaphore_mem>>) src(%arg10 : memref<200x128xf32, #tpu.memory_space<vmem>>) dst(%dma_wait3A_93 : memref<200x128xf32, #tpu.memory_space<hbm>>)
      } else {
      }
      %parallel_loop3A = arith.constant 0 : i32
      %parallel_loop3A_43 = arith.constant 200 : i32
      %parallel_loop3A_44 = arith.constant 1 : i32
      scf.for %parallel_loop3A_86 = %parallel_loop3A to %parallel_loop3A_43 step %parallel_loop3A_44  : i32 {
        %parallel_loop3A_87 = arith.index_cast %parallel_loop3A_86 : i32 to index
        %parallel_loop3A_88 = arith.constant 0 : index
        %parallel_loop3A_89 = tpu.vector_load %arg8[%parallel_loop3A_87, %parallel_loop3A_88] {strides = array<i32>} : memref<200x128xf32, #tpu.memory_space<vmem>>, vector<1x16xf32>,
        %parallel_loop3A_90 = vector.shape_cast %parallel_loop3A_89 : vector<1x16xf32> to vector<16xf32>
        %parallel_loop3A_91 = arith.index_cast %parallel_loop3A_86 : i32 to index
        %parallel_loop3A_92 = arith.constant 0 : index
        %parallel_loop3A_93 = tpu.vector_load %arg7[%parallel_loop3A_91, %parallel_loop3A_92] {strides = array<i32>} : memref<200x64xf32, #tpu.memory_space<vmem>>, vector<1x16xf32>,
        %parallel_loop3A_94 = vector.shape_cast %parallel_loop3A_93 : vector<1x16xf32> to vector<16xf32>
        %parallel_loop3A_95 = arith.addf %parallel_loop3A_90, %parallel_loop3A_94 : vector<16xf32>
        %parallel_loop3A_96 = arith.index_cast %parallel_loop3A_86 : i32 to index
        %parallel_loop3A_97 = arith.constant 0 : index
        %parallel_loop3A_98 = tpu.vector_load %arg10[%parallel_loop3A_96, %parallel_loop3A_97] {strides = array<i32>} : memref<200x128xf32, #tpu.memory_space<vmem>>, vector<1x16xf32>,
        %parallel_loop3A_99 = vector.shape_cast %parallel_loop3A_98 : vector<1x16xf32> to vector<16xf32>
        %parallel_loop3A_100 = vector.shape_cast %parallel_loop3A_95 : vector<16xf32> to vector<1x16xf32>
        tpu.vector_store %arg10[%parallel_loop3A_96, %parallel_loop3A_97], %parallel_loop3A_100 {strides = array<i32>} : memref<200x128xf32, #tpu.memory_space<vmem>>, vector<1x16xf32>,
        %parallel_loop3A_101 = arith.index_cast %parallel_loop3A_86 : i32 to index
        %parallel_loop3A_102 = arith.constant 16 : index
        %parallel_loop3A_103 = tpu.vector_load %arg8[%parallel_loop3A_101, %parallel_loop3A_102] {strides = array<i32>} : memref<200x128xf32, #tpu.memory_space<vmem>>, vector<1x16xf32>,
        %parallel_loop3A_104 = vector.shape_cast %parallel_loop3A_103 : vector<1x16xf32> to vector<16xf32>
        %parallel_loop3A_105 = arith.index_cast %parallel_loop3A_86 : i32 to index
        %parallel_loop3A_106 = arith.constant 16 : index
        %parallel_loop3A_107 = tpu.vector_load %arg7[%parallel_loop3A_105, %parallel_loop3A_106] {strides = array<i32>} : memref<200x64xf32, #tpu.memory_space<vmem>>, vector<1x16xf32>,
        %parallel_loop3A_108 = vector.shape_cast %parallel_loop3A_107 : vector<1x16xf32> to vector<16xf32>
        %parallel_loop3A_109 = arith.addf %parallel_loop3A_104, %parallel_loop3A_108 : vector<16xf32>
        %parallel_loop3A_110 = arith.index_cast %parallel_loop3A_86 : i32 to index
        %parallel_loop3A_111 = arith.constant 16 : index
        %parallel_loop3A_112 = tpu.vector_load %arg10[%parallel_loop3A_110, %parallel_loop3A_111] {strides = array<i32>} : memref<200x128xf32, #tpu.memory_space<vmem>>, vector<1x16xf32>,
        %parallel_loop3A_113 = vector.shape_cast %parallel_loop3A_112 : vector<1x16xf32> to vector<16xf32>
        %parallel_loop3A_114 = vector.shape_cast %parallel_loop3A_109 : vector<16xf32> to vector<1x16xf32>
        tpu.vector_store %arg10[%parallel_loop3A_110, %parallel_loop3A_111], %parallel_loop3A_114 {strides = array<i32>} : memref<200x128xf32, #tpu.memory_space<vmem>>, vector<1x16xf32>,
        %parallel_loop3A_115 = arith.index_cast %parallel_loop3A_86 : i32 to index
        %parallel_loop3A_116 = arith.constant 32 : index
        %parallel_loop3A_117 = tpu.vector_load %arg8[%parallel_loop3A_115, %parallel_loop3A_116] {strides = array<i32>} : memref<200x128xf32, #tpu.memory_space<vmem>>, vector<1x16xf32>,
        %parallel_loop3A_118 = vector.shape_cast %parallel_loop3A_117 : vector<1x16xf32> to vector<16xf32>
        %parallel_loop3A_119 = arith.index_cast %parallel_loop3A_86 : i32 to index
        %parallel_loop3A_120 = arith.constant 32 : index
        %parallel_loop3A_121 = tpu.vector_load %arg7[%parallel_loop3A_119, %parallel_loop3A_120] {strides = array<i32>} : memref<200x64xf32, #tpu.memory_space<vmem>>, vector<1x16xf32>,
        %parallel_loop3A_122 = vector.shape_cast %parallel_loop3A_121 : vector<1x16xf32> to vector<16xf32>
        %parallel_loop3A_123 = arith.addf %parallel_loop3A_118, %parallel_loop3A_122 : vector<16xf32>
        %parallel_loop3A_124 = arith.index_cast %parallel_loop3A_86 : i32 to index
        %parallel_loop3A_125 = arith.constant 32 : index
        %parallel_loop3A_126 = tpu.vector_load %arg10[%parallel_loop3A_124, %parallel_loop3A_125] {strides = array<i32>} : memref<200x128xf32, #tpu.memory_space<vmem>>, vector<1x16xf32>,
        %parallel_loop3A_127 = vector.shape_cast %parallel_loop3A_126 : vector<1x16xf32> to vector<16xf32>
        %parallel_loop3A_128 = vector.shape_cast %parallel_loop3A_123 : vector<16xf32> to vector<1x16xf32>
        tpu.vector_store %arg10[%parallel_loop3A_124, %parallel_loop3A_125], %parallel_loop3A_128 {strides = array<i32>} : memref<200x128xf32, #tpu.memory_space<vmem>>, vector<1x16xf32>,
        %parallel_loop3A_129 = arith.index_cast %parallel_loop3A_86 : i32 to index
        %parallel_loop3A_130 = arith.constant 48 : index
        %parallel_loop3A_131 = tpu.vector_load %arg8[%parallel_loop3A_129, %parallel_loop3A_130] {strides = array<i32>} : memref<200x128xf32, #tpu.memory_space<vmem>>, vector<1x16xf32>,
        %parallel_loop3A_132 = vector.shape_cast %parallel_loop3A_131 : vector<1x16xf32> to vector<16xf32>
        %parallel_loop3A_133 = arith.index_cast %parallel_loop3A_86 : i32 to index
        %parallel_loop3A_134 = arith.constant 48 : index
        %parallel_loop3A_135 = tpu.vector_load %arg7[%parallel_loop3A_133, %parallel_loop3A_134] {strides = array<i32>} : memref<200x64xf32, #tpu.memory_space<vmem>>, vector<1x16xf32>,
        %parallel_loop3A_136 = vector.shape_cast %parallel_loop3A_135 : vector<1x16xf32> to vector<16xf32>
        %parallel_loop3A_137 = arith.addf %parallel_loop3A_132, %parallel_loop3A_136 : vector<16xf32>
        %parallel_loop3A_138 = arith.index_cast %parallel_loop3A_86 : i32 to index
        %parallel_loop3A_139 = arith.constant 48 : index
        %parallel_loop3A_140 = tpu.vector_load %arg10[%parallel_loop3A_138, %parallel_loop3A_139] {strides = array<i32>} : memref<200x128xf32, #tpu.memory_space<vmem>>, vector<1x16xf32>,
        %parallel_loop3A_141 = vector.shape_cast %parallel_loop3A_140 : vector<1x16xf32> to vector<16xf32>
        %parallel_loop3A_142 = vector.shape_cast %parallel_loop3A_137 : vector<16xf32> to vector<1x16xf32>
        tpu.vector_store %arg10[%parallel_loop3A_138, %parallel_loop3A_139], %parallel_loop3A_142 {strides = array<i32>} : memref<200x128xf32, #tpu.memory_space<vmem>>, vector<1x16xf32>,
      } {sc.loop_unroll_factor = 8 : i64, sc.parallel_access}
      %lt3A = arith.constant 15 : i32
      %lt3A_45 = arith.cmpi slt, %scan3A_30, %lt3A : i32
      %convert_element_type3A_46 = arith.extui %lt3A_45 : i1 to i32
      %cond3A_47 = arith.constant 0 : i32
      %cond3A_48 = arith.cmpi ne, %convert_element_type3A_46, %cond3A_47 : i32
      scf.if %cond3A_48 {
        %add3A_86 = arith.constant 2 : i32
        %add3A_87 = arith.addi %add3A_34, %add3A_86 : i32
        %mul3A_88 = arith.constant 200 : i32
        %mul3A_89 = arith.muli %add3A_87, %mul3A_88 : i32
        %dma_start3A_90 = tpu.memref_slice %arg6[%mul3A_89] : memref<6400xi32, #tpu.memory_space<vmem>> -> memref<200xi32, #tpu.memory_space<vmem>>
        %dma_start3A_91 = arith.constant 0 : i32
        %dma_start3A_92 = arith.constant 0 : i32
        %dma_start3A_93 = tpu.memref_slice %arg3[%dma_start3A_91, %dma_start3A_92] : memref<1000000x128xf32, #tpu.memory_space<hbm>> -> memref<1000000x128xf32, #tpu.memory_space<hbm>>
        tpu.enqueue_indirect_dma source(%dma_start3A_93 : memref<1000000x128xf32, #tpu.memory_space<hbm>>) target(%arg8 : memref<200x128xf32, #tpu.memory_space<vmem>>) offsets(%dma_start3A_90 : memref<200xi32, #tpu.memory_space<vmem>>) semaphore(%arg12 : memref<!tpu.dma_semaphore, #tpu.memory_space<semaphore_mem>>)
      } else {
      }
      %mul3A_49 = arith.constant 200 : i32
      %mul3A_50 = arith.muli %add3A_34, %mul3A_49 : i32
      %add3A_51 = arith.addi %mul3A_4, %mul3A_50 : i32
      %dma_start3A_52 = arith.constant 0 : i32
      %dma_start3A_53 = tpu.memref_slice %arg5[%add3A_51, %dma_start3A_52] : memref<204800x128xf32, #tpu.memory_space<hbm>> -> memref<200x128xf32, #tpu.memory_space<hbm>>
      %dma_start3A_54 = arith.constant 0 : i32
      %dma_start3A_55 = tpu.memref_slice %arg5[%add3A_51, %dma_start3A_54] : memref<204800x128xf32, #tpu.memory_space<hbm>> -> memref<200x128xf32, #tpu.memory_space<hbm>>
      tpu.enqueue_dma source(%arg10 : memref<200x128xf32, #tpu.memory_space<vmem>>) target(%dma_start3A_55 : memref<200x128xf32, #tpu.memory_space<hbm>>) target_semaphore(%arg14 : memref<!tpu.dma_semaphore, #tpu.memory_space<semaphore_mem>>)
      %mul3A_56 = arith.constant 2 : i32
      %mul3A_57 = arith.muli %mul3A_56, %scan3A_30 : i32
      %add3A_58 = arith.constant 1 : i32
      %add3A_59 = arith.addi %mul3A_57, %add3A_58 : i32
      %mul3A_60 = arith.constant 200 : i32
      %mul3A_61 = arith.muli %add3A_59, %mul3A_60 : i32
      %dma_wait3A_62 = tpu.memref_slice %arg6[%mul3A_61] : memref<6400xi32, #tpu.memory_space<vmem>> -> memref<200xi32, #tpu.memory_space<vmem>>
      %dma_wait3A_63 = arith.constant 0 : i32
      %dma_wait3A_64 = arith.constant 0 : i32
      %dma_wait3A_65 = tpu.memref_slice %arg3[%dma_wait3A_63, %dma_wait3A_64] : memref<1000000x128xf32, #tpu.memory_space<hbm>> -> memref<1000000x128xf32, #tpu.memory_space<hbm>>
      tpu.wait_indirect_dma semaphore(%arg13 : memref<!tpu.dma_semaphore, #tpu.memory_space<semaphore_mem>>) src(%dma_wait3A_65 : memref<1000000x128xf32, #tpu.memory_space<hbm>>) dst(%arg9 : memref<200x128xf32, #tpu.memory_space<vmem>>)
      %gt3A_66 = arith.constant 0 : i32
      %gt3A_67 = arith.cmpi sgt, %scan3A_30, %gt3A_66 : i32
      %convert_element_type3A_68 = arith.extui %gt3A_67 : i1 to i32
      %cond3A_69 = arith.constant 0 : i32
      %cond3A_70 = arith.cmpi ne, %convert_element_type3A_68, %cond3A_69 : i32
      scf.if %cond3A_70 {
        %sub3A = arith.constant 2 : i32
        %sub3A_86 = arith.subi %add3A_59, %sub3A : i32
        %mul3A_87 = arith.constant 200 : i32
        %mul3A_88 = arith.muli %sub3A_86, %mul3A_87 : i32
        %add3A_89 = arith.addi %mul3A_4, %mul3A_88 : i32
        %dma_wait3A_90 = arith.constant 0 : i32
        %dma_wait3A_91 = tpu.memref_slice %arg5[%add3A_89, %dma_wait3A_90] : memref<204800x128xf32, #tpu.memory_space<hbm>> -> memref<200x128xf32, #tpu.memory_space<hbm>>
        %dma_wait3A_92 = arith.constant 0 : i32
        %dma_wait3A_93 = tpu.memref_slice %arg5[%add3A_89, %dma_wait3A_92] : memref<204800x128xf32, #tpu.memory_space<hbm>> -> memref<200x128xf32, #tpu.memory_space<hbm>>
        tpu.wait_dma2 semaphore(%arg15 : memref<!tpu.dma_semaphore, #tpu.memory_space<semaphore_mem>>) src(%arg11 : memref<200x128xf32, #tpu.memory_space<vmem>>) dst(%dma_wait3A_93 : memref<200x128xf32, #tpu.memory_space<hbm>>)
      } else {
      }
      %parallel_loop3A_71 = arith.constant 0 : i32
      %parallel_loop3A_72 = arith.constant 200 : i32
      %parallel_loop3A_73 = arith.constant 1 : i32
      scf.for %parallel_loop3A_86 = %parallel_loop3A_71 to %parallel_loop3A_72 step %parallel_loop3A_73  : i32 {
        %parallel_loop3A_87 = arith.index_cast %parallel_loop3A_86 : i32 to index
        %parallel_loop3A_88 = arith.constant 0 : index
        %parallel_loop3A_89 = tpu.vector_load %arg9[%parallel_loop3A_87, %parallel_loop3A_88] {strides = array<i32>} : memref<200x128xf32, #tpu.memory_space<vmem>>, vector<1x16xf32>,
        %parallel_loop3A_90 = vector.shape_cast %parallel_loop3A_89 : vector<1x16xf32> to vector<16xf32>
        %parallel_loop3A_91 = arith.index_cast %parallel_loop3A_86 : i32 to index
        %parallel_loop3A_92 = arith.constant 0 : index
        %parallel_loop3A_93 = tpu.vector_load %arg7[%parallel_loop3A_91, %parallel_loop3A_92] {strides = array<i32>} : memref<200x64xf32, #tpu.memory_space<vmem>>, vector<1x16xf32>,
        %parallel_loop3A_94 = vector.shape_cast %parallel_loop3A_93 : vector<1x16xf32> to vector<16xf32>
        %parallel_loop3A_95 = arith.addf %parallel_loop3A_90, %parallel_loop3A_94 : vector<16xf32>
        %parallel_loop3A_96 = arith.index_cast %parallel_loop3A_86 : i32 to index
        %parallel_loop3A_97 = arith.constant 0 : index
        %parallel_loop3A_98 = tpu.vector_load %arg11[%parallel_loop3A_96, %parallel_loop3A_97] {strides = array<i32>} : memref<200x128xf32, #tpu.memory_space<vmem>>, vector<1x16xf32>,
        %parallel_loop3A_99 = vector.shape_cast %parallel_loop3A_98 : vector<1x16xf32> to vector<16xf32>
        %parallel_loop3A_100 = vector.shape_cast %parallel_loop3A_95 : vector<16xf32> to vector<1x16xf32>
        tpu.vector_store %arg11[%parallel_loop3A_96, %parallel_loop3A_97], %parallel_loop3A_100 {strides = array<i32>} : memref<200x128xf32, #tpu.memory_space<vmem>>, vector<1x16xf32>,
        %parallel_loop3A_101 = arith.index_cast %parallel_loop3A_86 : i32 to index
        %parallel_loop3A_102 = arith.constant 16 : index
        %parallel_loop3A_103 = tpu.vector_load %arg9[%parallel_loop3A_101, %parallel_loop3A_102] {strides = array<i32>} : memref<200x128xf32, #tpu.memory_space<vmem>>, vector<1x16xf32>,
        %parallel_loop3A_104 = vector.shape_cast %parallel_loop3A_103 : vector<1x16xf32> to vector<16xf32>
        %parallel_loop3A_105 = arith.index_cast %parallel_loop3A_86 : i32 to index
        %parallel_loop3A_106 = arith.constant 16 : index
        %parallel_loop3A_107 = tpu.vector_load %arg7[%parallel_loop3A_105, %parallel_loop3A_106] {strides = array<i32>} : memref<200x64xf32, #tpu.memory_space<vmem>>, vector<1x16xf32>,
        %parallel_loop3A_108 = vector.shape_cast %parallel_loop3A_107 : vector<1x16xf32> to vector<16xf32>
        %parallel_loop3A_109 = arith.addf %parallel_loop3A_104, %parallel_loop3A_108 : vector<16xf32>
        %parallel_loop3A_110 = arith.index_cast %parallel_loop3A_86 : i32 to index
        %parallel_loop3A_111 = arith.constant 16 : index
        %parallel_loop3A_112 = tpu.vector_load %arg11[%parallel_loop3A_110, %parallel_loop3A_111] {strides = array<i32>} : memref<200x128xf32, #tpu.memory_space<vmem>>, vector<1x16xf32>,
        %parallel_loop3A_113 = vector.shape_cast %parallel_loop3A_112 : vector<1x16xf32> to vector<16xf32>
        %parallel_loop3A_114 = vector.shape_cast %parallel_loop3A_109 : vector<16xf32> to vector<1x16xf32>
        tpu.vector_store %arg11[%parallel_loop3A_110, %parallel_loop3A_111], %parallel_loop3A_114 {strides = array<i32>} : memref<200x128xf32, #tpu.memory_space<vmem>>, vector<1x16xf32>,
        %parallel_loop3A_115 = arith.index_cast %parallel_loop3A_86 : i32 to index
        %parallel_loop3A_116 = arith.constant 32 : index
        %parallel_loop3A_117 = tpu.vector_load %arg9[%parallel_loop3A_115, %parallel_loop3A_116] {strides = array<i32>} : memref<200x128xf32, #tpu.memory_space<vmem>>, vector<1x16xf32>,
        %parallel_loop3A_118 = vector.shape_cast %parallel_loop3A_117 : vector<1x16xf32> to vector<16xf32>
        %parallel_loop3A_119 = arith.index_cast %parallel_loop3A_86 : i32 to index
        %parallel_loop3A_120 = arith.constant 32 : index
        %parallel_loop3A_121 = tpu.vector_load %arg7[%parallel_loop3A_119, %parallel_loop3A_120] {strides = array<i32>} : memref<200x64xf32, #tpu.memory_space<vmem>>, vector<1x16xf32>,
        %parallel_loop3A_122 = vector.shape_cast %parallel_loop3A_121 : vector<1x16xf32> to vector<16xf32>
        %parallel_loop3A_123 = arith.addf %parallel_loop3A_118, %parallel_loop3A_122 : vector<16xf32>
        %parallel_loop3A_124 = arith.index_cast %parallel_loop3A_86 : i32 to index
        %parallel_loop3A_125 = arith.constant 32 : index
        %parallel_loop3A_126 = tpu.vector_load %arg11[%parallel_loop3A_124, %parallel_loop3A_125] {strides = array<i32>} : memref<200x128xf32, #tpu.memory_space<vmem>>, vector<1x16xf32>,
        %parallel_loop3A_127 = vector.shape_cast %parallel_loop3A_126 : vector<1x16xf32> to vector<16xf32>
        %parallel_loop3A_128 = vector.shape_cast %parallel_loop3A_123 : vector<16xf32> to vector<1x16xf32>
        tpu.vector_store %arg11[%parallel_loop3A_124, %parallel_loop3A_125], %parallel_loop3A_128 {strides = array<i32>} : memref<200x128xf32, #tpu.memory_space<vmem>>, vector<1x16xf32>,
        %parallel_loop3A_129 = arith.index_cast %parallel_loop3A_86 : i32 to index
        %parallel_loop3A_130 = arith.constant 48 : index
        %parallel_loop3A_131 = tpu.vector_load %arg9[%parallel_loop3A_129, %parallel_loop3A_130] {strides = array<i32>} : memref<200x128xf32, #tpu.memory_space<vmem>>, vector<1x16xf32>,
        %parallel_loop3A_132 = vector.shape_cast %parallel_loop3A_131 : vector<1x16xf32> to vector<16xf32>
        %parallel_loop3A_133 = arith.index_cast %parallel_loop3A_86 : i32 to index
        %parallel_loop3A_134 = arith.constant 48 : index
        %parallel_loop3A_135 = tpu.vector_load %arg7[%parallel_loop3A_133, %parallel_loop3A_134] {strides = array<i32>} : memref<200x64xf32, #tpu.memory_space<vmem>>, vector<1x16xf32>,
        %parallel_loop3A_136 = vector.shape_cast %parallel_loop3A_135 : vector<1x16xf32> to vector<16xf32>
        %parallel_loop3A_137 = arith.addf %parallel_loop3A_132, %parallel_loop3A_136 : vector<16xf32>
        %parallel_loop3A_138 = arith.index_cast %parallel_loop3A_86 : i32 to index
        %parallel_loop3A_139 = arith.constant 48 : index
        %parallel_loop3A_140 = tpu.vector_load %arg11[%parallel_loop3A_138, %parallel_loop3A_139] {strides = array<i32>} : memref<200x128xf32, #tpu.memory_space<vmem>>, vector<1x16xf32>,
        %parallel_loop3A_141 = vector.shape_cast %parallel_loop3A_140 : vector<1x16xf32> to vector<16xf32>
        %parallel_loop3A_142 = vector.shape_cast %parallel_loop3A_137 : vector<16xf32> to vector<1x16xf32>
        tpu.vector_store %arg11[%parallel_loop3A_138, %parallel_loop3A_139], %parallel_loop3A_142 {strides = array<i32>} : memref<200x128xf32, #tpu.memory_space<vmem>>, vector<1x16xf32>,
      } {sc.loop_unroll_factor = 8 : i64, sc.parallel_access}
      %lt3A_74 = arith.constant 15 : i32
      %lt3A_75 = arith.cmpi slt, %scan3A_30, %lt3A_74 : i32
      %convert_element_type3A_76 = arith.extui %lt3A_75 : i1 to i32
      %cond3A_77 = arith.constant 0 : i32
      %cond3A_78 = arith.cmpi ne, %convert_element_type3A_76, %cond3A_77 : i32
      scf.if %cond3A_78 {
        %add3A_86 = arith.constant 2 : i32
        %add3A_87 = arith.addi %add3A_59, %add3A_86 : i32
        %mul3A_88 = arith.constant 200 : i32
        %mul3A_89 = arith.muli %add3A_87, %mul3A_88 : i32
        %dma_start3A_90 = tpu.memref_slice %arg6[%mul3A_89] : memref<6400xi32, #tpu.memory_space<vmem>> -> memref<200xi32, #tpu.memory_space<vmem>>
        %dma_start3A_91 = arith.constant 0 : i32
        %dma_start3A_92 = arith.constant 0 : i32
        %dma_start3A_93 = tpu.memref_slice %arg3[%dma_start3A_91, %dma_start3A_92] : memref<1000000x128xf32, #tpu.memory_space<hbm>> -> memref<1000000x128xf32, #tpu.memory_space<hbm>>
        tpu.enqueue_indirect_dma source(%dma_start3A_93 : memref<1000000x128xf32, #tpu.memory_space<hbm>>) target(%arg9 : memref<200x128xf32, #tpu.memory_space<vmem>>) offsets(%dma_start3A_90 : memref<200xi32, #tpu.memory_space<vmem>>) semaphore(%arg13 : memref<!tpu.dma_semaphore, #tpu.memory_space<semaphore_mem>>)
      } else {
      }
      %mul3A_79 = arith.constant 200 : i32
      %mul3A_80 = arith.muli %add3A_59, %mul3A_79 : i32
      %add3A_81 = arith.addi %mul3A_4, %mul3A_80 : i32
      %dma_start3A_82 = arith.constant 0 : i32
      %dma_start3A_83 = tpu.memref_slice %arg5[%add3A_81, %dma_start3A_82] : memref<204800x128xf32, #tpu.memory_space<hbm>> -> memref<200x128xf32, #tpu.memory_space<hbm>>
      %dma_start3A_84 = arith.constant 0 : i32
      %dma_start3A_85 = tpu.memref_slice %arg5[%add3A_81, %dma_start3A_84] : memref<204800x128xf32, #tpu.memory_space<hbm>> -> memref<200x128xf32, #tpu.memory_space<hbm>>
      tpu.enqueue_dma source(%arg11 : memref<200x128xf32, #tpu.memory_space<vmem>>) target(%dma_start3A_85 : memref<200x128xf32, #tpu.memory_space<hbm>>) target_semaphore(%arg15 : memref<!tpu.dma_semaphore, #tpu.memory_space<semaphore_mem>>)
    }
    %scan3A_18 = arith.constant 16 : i32
    %add3A_19 = arith.constant 6000 : i32
    %add3A_20 = arith.addi %mul3A_4, %add3A_19 : i32
    %dma_wait3A = arith.constant 0 : i32
    %dma_wait3A_21 = tpu.memref_slice %arg5[%add3A_20, %dma_wait3A] : memref<204800x128xf32, #tpu.memory_space<hbm>> -> memref<200x128xf32, #tpu.memory_space<hbm>>
    %dma_wait3A_22 = arith.constant 0 : i32
    %dma_wait3A_23 = tpu.memref_slice %arg5[%add3A_20, %dma_wait3A_22] : memref<204800x128xf32, #tpu.memory_space<hbm>> -> memref<200x128xf32, #tpu.memory_space<hbm>>
    tpu.wait_dma2 semaphore(%arg14 : memref<!tpu.dma_semaphore, #tpu.memory_space<semaphore_mem>>) src(%arg10 : memref<200x128xf32, #tpu.memory_space<vmem>>) dst(%dma_wait3A_23 : memref<200x128xf32, #tpu.memory_space<hbm>>)
    %add3A_24 = arith.constant 6200 : i32
    %add3A_25 = arith.addi %mul3A_4, %add3A_24 : i32
    %dma_wait3A_26 = arith.constant 0 : i32
    %dma_wait3A_27 = tpu.memref_slice %arg5[%add3A_25, %dma_wait3A_26] : memref<204800x128xf32, #tpu.memory_space<hbm>> -> memref<200x128xf32, #tpu.memory_space<hbm>>
    %dma_wait3A_28 = arith.constant 0 : i32
    %dma_wait3A_29 = tpu.memref_slice %arg5[%add3A_25, %dma_wait3A_28] : memref<204800x128xf32, #tpu.memory_space<hbm>> -> memref<200x128xf32, #tpu.memory_space<hbm>>
    tpu.wait_dma2 semaphore(%arg15 : memref<!tpu.dma_semaphore, #tpu.memory_space<semaphore_mem>>) src(%arg11 : memref<200x128xf32, #tpu.memory_space<vmem>>) dst(%dma_wait3A_29 : memref<200x128xf32, #tpu.memory_space<hbm>>)
    return
  }
}

</mosaic_0001>

<sc_bundles>
// kernel: kernel.3.cloned.1.call-start
scs
__scs_entry_jumppad:
0x0: {  	(pc) =	sbr.rel $0x88, $3  }
0x1: {  	(tag) =	ssettag $0x0;
	lr =	simm.s32 $0x1  }
0x2: {  	[smem:$0x3F9F] =	sst lr;
	_ =	strace $0xD0000000  }
0x3: {  	_ = 	snop  }
0x4: {  	_ = 	snop  }
0x5: {  	_ = 	snop  }
0x6: {  	_ = 	snop  }
0x7: {  	_ = 	snop  }
__scs_overlays_trampoline_lowered:
0x8: {  	[smem:$0x3FAE] =	sst s0  }
0x9: {  	[smem:$0x3FAF] =	sst s1  }
0xa: {  	[smem:$0x3FB0] =	sst s2  }
0xb: {  	[smem:$0x3FB1] =	sst s3  }
0xc: {  	[smem:$0x3FB2] =	sst s4  }
0xd: {  	[smem:$0x3FB3] =	sst s5  }
0xe: {  	[smem:$0x3FB4] =	sst s6  }
0xf: {  	[smem:$0x3FB5] =	sst s7  }
0x10: {  	[smem:$0x3FB6] =	sst s8  }
0x11: {  	[smem:$0x3FB7] =	sst s9;
	s0 =	simm.s32 @!p0 $0x0  }
0x12: {  	s1 =	sld [smem:$0x3F9D];
	s0 =	simm.s32 @p0 $0x1  }
0x13: {  	[smem:$0x3FB8] =	sst s0;
	s0 =	simm.s32 @!p1 $0x0  }
0x14: {  	s2 =	sld [smem:$0x3F9C];
	s0 =	simm.s32 @p1 $0x1  }
0x15: {  	[smem:$0x3FB9] =	sst s0;
	s0 =	simm.s32 @!p2 $0x0  }
0x16: {  	s3 =	sld [smem:$0x3FDB];
	s0 =	simm.s32 @p2 $0x1  }
0x17: {  	s4 =	simm.s32 $0x1BF5;
	[smem:$0x3FBB] =	sst s0  }
0x18: {  	s0 =	sld [smem:$0x3F9E];
	_ =	swait.ge [sflag:s4], $0x0  }
0x19: {  	s7 =	sld [smem:$0x3F9F]  }
0x1a: {  	s8 =	sadd.s32 $0xFFFFE003, lr  }
0x1b: {  	s9 =	sadd.s32 $0xFFFFFEF7, lr;
	s5 =	simm.s32 $0xFFFFFFFF;
	p2 =	slt.u32 s8, $0xFFFFF086  }
0x1c: {  	p1 =	slt.u32 s9, $0xF7A;
	s5 =	simm.s32 @!p2 $0x0  }
0x1d: {  	s5 =	simm.s32 @p1 $0x1;
	p0 =	seq.s32 s7, s2  }
0x1e: {  	s7 =	smul.u32 @!p0 $0xF7A, s2;
	p2 =	seq.s32 @!p0 s5, $0x0  }
0x1f: {  	s9 =	smul.u32 $0xF7A, s1;
	s8 =	simm.s32 @!p0 $0x1BF5;
	p2 =	por !p2, p0  }
0x20: {  	[sflag:s8] =	ssyncset.s32 @!p0 $0xFFFFF086;
	s6 =	sadd.s32 @!p0 s3, s7;
	s7 =	simm.s32 @!p0 $0x108  }
0x21: {  	s3 =	sadd.s32 s3, s9;
	s6 =	sadd.s32 @!p0 $0x88, s6;
	s7 =	simm.s32 @p2 $0x1082  }
0x22: {  	[simem:s7], [sflag:s8] =	dma.local @!p0 [hbm:s6], $0xF7A  }
0x23: {  	s9 =	sor.u32 $0xD0000000, s2;
	s6 =	simm.s32 $0x108;
	_ =	swait.ge @!p0 [sflag:s8], $0x0  }
0x24: {  	s3 =	sadd.s32 $0x88, s3;
	s6 =	simm.s32 @!p1 $0x1082;
	[sflag:s4] =	ssyncset.s32 $0xFFFFF086  }
0x25: {  	[simem:s6], [sflag:s4] =	dma.local [hbm:s3], $0xF7A  }
0x26: {  	[smem:$0x3F9F] =	sst s1;
	(tag) =	ssettag s2;
	_ =	strace s9  }
0x27: {  	s1 =	sld [smem:$0x3FAF]  }
0x28: {  	s2 =	sld [smem:$0x3FB0]  }
0x29: {  	s4 =	sld [smem:$0x3FB2]  }
0x2a: {  	p0 =	seq.s32 s5, $0x0;
	s5 =	sld [smem:$0x3FB3]  }
0x2b: {  	s6 =	sld [smem:$0x3FB4]  }
0x2c: {  	s7 =	sld [smem:$0x3FB5]  }
0x2d: {  	s3 =	simm.s32 $0x108;
	s8 =	sld [smem:$0x3FB6]  }
0x2e: {  	s3 =	simm.s32 @!p0 $0x1082;
	s9 =	sld [smem:$0x3FB7]  }
0x2f: {  	lr =	sadd.s32 s0, s3;
	s0 =	sld [smem:$0x3FAE]  }
0x30: {  	s3 =	sld [smem:$0x3FB1]  }
0x31: {  	[smem:$0x3FBA] =	sst s10  }
0x32: {  	s10 =	sld [smem:$0x3FB8];
	_ =	sdelay $0x3  }
0x33: {  	p0 =	seq.s32 s10, $0x1;
	s10 =	sld [smem:$0x3FBA];
	_ =	sdelay $0x3  }
0x34: {  	[smem:$0x3FBA] =	sst s10  }
0x35: {  	s10 =	sld [smem:$0x3FB9];
	_ =	sdelay $0x3  }
0x36: {  	p1 =	seq.s32 s10, $0x1;
	s10 =	sld [smem:$0x3FBA];
	_ =	sdelay $0x3  }
0x37: {  	[smem:$0x3FBA] =	sst s10  }
0x38: {  	s10 =	sld [smem:$0x3FBB]  }
0x39: {  	_ = 	snop;
	(pc) =	sbr.ind lr, $3  }
0x3a: {  	_ = 	snop  }
0x3b: {  	_ = 	snop  }
0x3c: {  	p2 =	seq.s32 s10, $0x1;
	s10 =	sld [smem:$0x3FBA]  }
0x3d: {  	_ =	shalt  }
0x3e: {  	_ =	shalt  }
0x3f: {  	_ =	shalt  }
0x40: {  	_ =	shalt  }
0x41: {  	_ =	shalt  }
0x42: {  	_ =	shalt  }
0x43: {  	_ =	shalt  }
0x44: {  	_ =	shalt  }
0x45: {  	_ =	shalt  }
0x46: {  	_ =	shalt  }
0x47: {  	_ =	shalt  }
0x48: {  	_ =	shalt  }
0x49: {  	_ =	shalt  }
0x4a: {  	_ =	shalt  }
0x4b: {  	_ =	shalt  }
0x4c: {  	_ =	shalt  }
0x4d: {  	_ =	shalt  }
0x4e: {  	_ =	shalt  }
0x4f: {  	_ =	shalt  }
0x50: {  	_ =	shalt  }
0x51: {  	_ =	shalt  }
0x52: {  	_ =	shalt  }
0x53: {  	_ =	shalt  }
0x54: {  	_ =	shalt  }
0x55: {  	_ =	shalt  }
0x56: {  	_ =	shalt  }
0x57: {  	_ =	shalt  }
0x58: {  	_ =	shalt  }
0x59: {  	_ =	shalt  }
0x5a: {  	_ =	shalt  }
0x5b: {  	_ =	shalt  }
0x5c: {  	_ =	shalt  }
0x5d: {  	_ =	shalt  }
0x5e: {  	_ =	shalt  }
0x5f: {  	_ =	shalt  }
0x60: {  	_ =	shalt  }
0x61: {  	_ =	shalt  }
0x62: {  	_ =	shalt  }
0x63: {  	_ =	shalt  }
0x64: {  	_ =	shalt  }
0x65: {  	_ =	shalt  }
0x66: {  	_ =	shalt  }
0x67: {  	_ =	shalt  }
0x68: {  	_ =	shalt  }
0x69: {  	_ =	shalt  }
0x6a: {  	_ =	shalt  }
0x6b: {  	_ =	shalt  }
0x6c: {  	_ =	shalt  }
0x6d: {  	_ =	shalt  }
0x6e: {  	_ =	shalt  }
0x6f: {  	_ =	shalt  }
0x70: {  	_ =	shalt  }
0x71: {  	_ =	shalt  }
0x72: {  	_ =	shalt  }
0x73: {  	_ =	shalt  }
0x74: {  	_ =	shalt  }
0x75: {  	_ =	shalt  }
0x76: {  	_ =	shalt  }
0x77: {  	_ =	shalt  }
0x78: {  	_ =	shalt  }
0x79: {  	_ =	shalt  }
0x7a: {  	_ =	shalt  }
0x7b: {  	_ =	shalt  }
0x7c: {  	_ =	shalt  }
0x7d: {  	_ =	shalt  }
0x7e: {  	_ =	shalt  }
0x7f: {  	_ =	shalt  }
0x80: {  	_ =	shalt  }
0x81: {  	_ =	shalt  }
0x82: {  	_ =	shalt  }
0x83: {  	_ =	shalt  }
0x84: {  	_ =	shalt  }
0x85: {  	_ =	shalt  }
0x86: {  	_ =	shalt  }
0x87: {  	_ =	shalt  }
.Lfunc_end0:
.L_simem_size_0:
called_computation.1_lowered:
.L_overlay_start_0:
0x88: {  	s2 =	sld [smem:$0x3FD9]  }
0x89: {  	s3 =	sld [smem:$0x3FFE];
	_ =	sdelay $0x1  }
0x8a: {  	s1 =	srdreg.scid  }
0x8b: {  	s0 =	sand.u32 $0x1, s1  }
0x8c: {  	s17 =	sshll.u32 s0, $0xA;
	s2 =	sadd.s32 s3, s2  }
0x8d: {  	s2 =	sadd.s32 s2, s17  }
0x8e: {  	[smem:$0x3FC6] =	sst s2  }
0x8f: {  	_ = 	snop  }
0x90: {  	s2 =	sld [smem:$0x3FD0];
	(tm) =	ssettm $0x1  }
0x91: {  	s18 =	sld [smem:$0x3FFB];
	_ =	sdelay $0x3  }
0x92: {  	_ =	strace s18  }
0x93: {  	s3 =	sld [smem:$0x3FFC];
	_ =	sdelay $0x3  }
0x94: {  	_ =	strace s3  }
0x95: {  	s3 =	sld [smem:$0x3FFD];
	_ =	sdelay $0x3  }
0x96: {  	_ =	strace s3  }
0x97: {  	_ =	strace $0x8FFFFFFF  }
0x98: {  	s19 =	sld [smem:$0x3FDB];
	_ =	sdelay $0x1  }
0x99: {  	s4 =	simm.s32 $_scs_section_size  }
0x9a: {  	s5 =	simm.s32 $_size__tile_overlayer_lowered;
	s6 =	simm.s32 $_tile_overlayer_lowered  }
0x9b: {  	s22 =	simm.s32 $0x1BFF;
	s21 =	sshll.u32 s6, $0x1;
	s3 =	sadd.s32 s4, s19  }
0x9c: {  	s7 =	simm.s32 $0x0;
	s20 =	sshll.u32 s5, $0x1;
	s5 =	sadd.s32 s21, s3  }
0x9d: {  	[timem:s7], [sflag:s22] =	dma.local [hbm:s5], s20  }
0x9e: {  	_ =	swait.ge [sflag:s22], s20  }
0x9f: {  	s4 =	ssub.s32 $0x0, s20;
	[sflag:s22] =	ssyncset.done $0x0  }
0xa0: {  	[sflag:s22] =	ssyncadd.s32 s4;
	_ =	sdelay $0x1  }
0xa1: {  	s23 =	simm.s32 $0x1B8B  }
0xa2: {  	_ =	swait.ge [sflag:s23], $0x1  }
0xa3: {  	[sflag:s23] =	ssyncset.done $0x0  }
0xa4: {  	s25 =	simm.s32 $0x1B8E;
	s24 =	sld [smem:$0x3FFE];
	[sflag:s23] =	ssyncadd.s32 $0xFFFFFFFF  }
0xa5: {  	s26 =	simm.s32 $execute0_lowered;
	[smem:$0x3FD2] =	sst s25  }
0xa6: {  	s5 =	sshll.u32 s26, $0x1;
	_ =	strace $0x80000046;
	[dreg:$0x1] =	wrdreg $0xFFFFFFFF  }
0xa7: {  	s28 =	simm.s32 $_size_execute0_lowered;
	s3 =	sadd.s32 s3, s5;
	[dreg:$0x0] =	wrdreg $0x0  }
0xa8: {  	s5 =	sshll.u32 s28, $0x1;
	[dreg:$0x2] =	wrdreg s3  }
0xa9: {  	[dreg:$0x3] =	wrdreg s5  }
0xaa: {  	[dreg:$0x4] =	wrdreg $0xC0  }
0xab: {  	_ =	task [dreg:s7], $0x5FFFF  }
0xac: {  	[dreg:$0x1] =	wrdreg $0xFFFFFFFF  }
0xad: {  	[dreg:$0x0] =	wrdreg $0x60  }
0xae: {  	[dreg:$0x2] =	wrdreg s2  }
0xaf: {  	[dreg:$0x3] =	wrdreg s24  }
0xb0: {  	[dreg:$0x4] =	wrdreg $0x9  }
0xb1: {  	_ =	task.clear_ibuf [dreg:s7], $0x5FFFF;
	_ =	strace $0x90000046  }
0xb2: {  	s29 =	simm.s32 $0x9;
	_ =	strace $0x80000048  }
0xb3: {  	_ =	swait.ge [sflag:s29], $0x1  }
0xb4: {  	[sflag:s29] =	ssyncadd.s32 $0xFFFFFFFF  }
0xb5: {  	_ =	strace $0x90000048  }
0xb6: {  	_ =	sfence  }
0xb7: {  	s30 =	sld [smem:$0x0];
	_ =	sdelay $0x2  }
0xb8: {  	s31 =	sshll.u32 s1, $0xD;
	s1 =	sshrl.u32 s1, $0x2  }
0xb9: {  	s3 =	sand.u32 $0x4000, s31;
	s1 =	sadd.s32 s1, s30  }
0xba: {  	s0 =	sor.u32 s3, s0;
	s1 =	sshll.u32 s1, $0x11  }
0xbb: {  	s0 =	sor.u32 s1, s0  }
0xbc: {  	s0 =	sadd.s32 $0x8F2B, s0  }
0xbd: {  	[sflag:s0] =	ssyncadd.remote.s32 $0x1  }
0xbe: {  	_ =	sfence.sel $0xFFFF  }
0xbf: {  	[dreg:$0x0] =	wrdreg $0xFFFFFFFF;
	(pc) =	sbr.abs _section_cstart, $3  }
0xc0: {  	[dreg:$0x1] =	wrdreg $0xFFFFFFFF  }
0xc1: {  	_ =	task.clear_ibuf [dreg:s7], $0x2FFFF;
	_ =	strace $0x9FFFFFFF  }
0xc2: {  	(tm) =	ssettm $0x7FFFFFFF  }
0xc3: {  	_ =	shalt  }
tec
execute0_lowered:
.L_overlay_start_1:
0x0: {  	(tag) =	ssettag $0x1  }
0x1: {  	s7 =	rddreg [dreg:$0x0]  }
0x2: {  	s6 =	rddreg [dreg:$0x1]  }
0x3: {  	s0 =	rddreg [dreg:$0x2];
	s3 =	srdreg.scid  }
0x4: {  	s1 =	stileid.u32;
	s2 =	simm.s32 $0x0;
	s10 =	simm.s32 $0x1900  }
0x5: {  	s11 =	simm.s32 $0x5;
	s12 =	simm.s32 $0xC8;
	s13 =	simm.s32 $0x4B00  }
0x6: {  	s14 =	simm.s32 $0xAF00;
	s15 =	simm.s32 $0x1;
	s16 =	simm.s32 $0x11300  }
0x7: {  	s17 =	simm.s32 $0x2;
	s18 =	simm.s32 $0x17700;
	s19 =	simm.s32 $0x3  }
0x8: {  	s20 =	simm.s32 $0x4;
	s3 =	sand.u32 $0x1, s3;
	s4 =	sshll.u32 s1, $0x1  }
0x9: {  	s21 =	simm.s32 $0x0;
	[smem:$0x7FF] =	sst s2;
	s4 =	sor.u32 s3, s4  }
0xa: {  	s5 =	sadd.s32 $0xF43600, s6;
	s8 =	ssub.s32 $0x2, s3;
	s3 =	smul.u32 $0x1900, s4  }
0xb: {  	_ =	strace $0x80000047;
	s4 =	sadd.s32 $0xF43E00, s6;
	s9 =	sshrl.u32 s8, $0x1  }
0xc: {  	s6 =	sadd.s32 $0xE00, s6;
	s9 =	ssub.s32 s8, s9;
	s31 =	sshrl.u32 s3, $0x3  }
0xd: {  	s8 =	sor.u32 $0xC8, s3;
	s9 =	smax.u32 s9, $0x1;
	s7 =	sadd.s32 s7, s31  }
.LBB2_1:
0xe: {  	[tilespmem:s10], [sflag:$0x5] =	stream.linear.gather [hbm4b:s5+s2], $0x3200, $0x38;
	[tilespmem:$0x1DB00] =	vst v63  }
0xf: {  	_ =	swait.ge [sflag:s11], $0x3200  }
0x10: {  	[sflag:s11] =	ssyncset.done $0x0  }
0x11: {  	[sflag:s11] =	ssyncadd.s32 $0xFFFFCE00  }
0x12: {  	[tilespmem:s2], [sflag:$0x5] =	stream.linear.gather [hbm4b:s7+s2], $0x1900, $0x38;
	[tilespmem:$0x1DB00] =	vst v63  }
0x13: {  	_ =	swait.ge [sflag:s11], $0x1900  }
0x14: {  	[sflag:s11] =	ssyncset.done $0x0  }
0x15: {  	[sflag:s11] =	ssyncadd.s32 $0xFFFFE700  }
0x16: {  	[tilespmem:s13], [sflag:$0x1] =	stream.indirect.gather [hbm4b:s4+s12], $0x80, s2, s12, $0xb8;
	[tilespmem:$0x1DB00] =	vst v63  }
0x17: {  	s22 =	simm.s32 $0x0  }
0x18: {  	[tilespmem:s14], [sflag:$0x2] =	stream.indirect.gather [hbm4b:s4+s12], $0x80, s12, s12, $0xb8;
	[tilespmem:$0x1DB00] =	vst v63  }
.LBB2_2:
0x19: {  	_ =	swait.ge [sflag:s15], $0x6400  }
0x1a: {  	p1 =	seq.s32 s22, $0x0;
	[sflag:s15] =	ssyncset.done $0x0  }
0x1b: {  	s23 =	simm.s32 @!p1 $0x3;
	[sflag:s15] =	ssyncadd.s32 $0xFFFF9C00  }
0x1c: {  	_ =	swait.ge @!p1 [sflag:s23], $0x6400  }
0x1d: {  	[sflag:s23] =	ssyncset.done @!p1 $0x0  }
0x1e: {  	s25 =	simm.s32 $0x4D00;
	[sflag:s23] =	ssyncadd.s32 @!p1 $0xFFFF9C00  }
0x1f: {  	s23 =	simm.s32 $0x1A00;
	v0 =	vld [tilespmem:s25+$0x180]  }
0x20: {  	v1 =	vld [tilespmem:s23+$0xC0]  }
0x21: {  	v2 =	vld [tilespmem:s23+$0xFFFFFF00]  }
0x22: {  	v3 =	vld [tilespmem:s25+$0xFFFFFE80]  }
0x23: {  	v4 =	vld [tilespmem:s23+$0xFFFFFF40]  }
0x24: {  	v5 =	vld [tilespmem:s25+$0xFFFFFF00]  }
0x25: {  	v6 =	vld [tilespmem:s23+$0xFFFFFF80]  }
0x26: {  	v7 =	vld [tilespmem:s23+$0xFFFFFFC0]  }
0x27: {  	v9 =	vld [tilespmem:s25+$0x0]  }
0x28: {  	v10 =	vld [tilespmem:s23+$0x0]  }
0x29: {  	v11 =	vld [tilespmem:s25+$0x80]  }
0x2a: {  	v12 =	vld [tilespmem:s23+$0x40];
	v0 =	vadd.f32 v1, v0  }
0x2b: {  	s24 =	simm.s32 $0x11500;
	v1 =	vld [tilespmem:s25+$0xFFFFFF80]  }
0x2c: {  	v3 =	vadd.f32 v4, v3;
	v4 =	vld [tilespmem:s25+$0xFFFFFE00];
	[tilespmem:s24+$0x180] =	vst v0  }
0x2d: {  	v0 =	vld [tilespmem:s25+$0x190]  }
0x2e: {  	v8 =	vld [tilespmem:s23+$0xD0]  }
0x2f: {  	v13 =	vld [tilespmem:s25+$0x100];
	[tilespmem:s24+$0xFFFFFE80] =	vst v3;
	v3 =	vadd.f32 v6, v5  }
0x30: {  	v6 =	vld [tilespmem:s25+$0xFFFFFE90]  }
0x31: {  	[tilespmem:s24+$0xFFFFFF00] =	vst v3;
	v3 =	vld [tilespmem:s23+$0xFFFFFF50];
	v1 =	vadd.f32 v7, v1  }
0x32: {  	v2 =	vadd.f32 v2, v4;
	v4 =	vld [tilespmem:s25+$0xFFFFFF10]  }
0x33: {  	[tilespmem:s24+$0xFFFFFF80] =	vst v1;
	v1 =	vld [tilespmem:s23+$0xFFFFFF90];
	v0 =	vadd.f32 v8, v0  }
0x34: {  	[tilespmem:s24+$0xFFFFFE00] =	vst v2;
	v2 =	vld [tilespmem:s25+$0xFFFFFF90]  }
0x35: {  	v55 =	vld [tilespmem:s23+$0xFFFFFFD0];
	[tilespmem:s24+$0x190] =	vst v0  }
0x36: {  	v3 =	vadd.f32 v3, v6;
	v0 =	vld [tilespmem:s25+$0x1A0]  }
0x37: {  	v5 =	vld [tilespmem:s23+$0xE0]  }
0x38: {  	v8 =	vld [tilespmem:s23+$0x80];
	[tilespmem:s24+$0xFFFFFE90] =	vst v3;
	v1 =	vadd.f32 v1, v4  }
0x39: {  	v4 =	vld [tilespmem:s25+$0xFFFFFEA0]  }
0x3a: {  	[tilespmem:s24+$0xFFFFFF10] =	vst v1;
	v1 =	vadd.f32 v55, v2;
	v2 =	vld [tilespmem:s23+$0xFFFFFF60]  }
0x3b: {  	v7 =	vld [tilespmem:s23+$0xFFFFFF10]  }
0x3c: {  	v58 =	vld [tilespmem:s25+$0xFFFFFF20];
	v0 =	vadd.f32 v5, v0  }
0x3d: {  	v5 =	vld [tilespmem:s25+$0xFFFFFE10];
	[tilespmem:s24+$0xFFFFFF90] =	vst v1  }
0x3e: {  	v59 =	vld [tilespmem:s25+$0xFFFFFFA0];
	[tilespmem:s24+$0x1A0] =	vst v0;
	v0 =	vadd.f32 v10, v9  }
0x3f: {  	v53 =	vld [tilespmem:s25+$0x1B0];
	v2 =	vadd.f32 v2, v4  }
0x40: {  	v54 =	vld [tilespmem:s23+$0xF0];
	[tilespmem:s24+$0x0] =	vst v0;
	v0 =	vadd.f32 v12, v11  }
0x41: {  	v56 =	vld [tilespmem:s25+$0x10];
	[tilespmem:s24+$0xFFFFFEA0] =	vst v2  }
0x42: {  	[tilespmem:s24+$0x80] =	vst v0;
	v0 =	vadd.f32 v8, v13;
	v8 =	vld [tilespmem:s23+$0x10]  }
0x43: {  	v61 =	vld [tilespmem:s25+$0xFFFFFEB0]  }
0x44: {  	v57 =	vld [tilespmem:s25+$0x90]  }
0x45: {  	[tilespmem:s24+$0x100] =	vst v0;
	v0 =	vadd.f32 v7, v5;
	v5 =	vld [tilespmem:s23+$0x50]  }
0x46: {  	v7 =	vld [tilespmem:s25+$0x110]  }
0x47: {  	[tilespmem:s24+$0xFFFFFE10] =	vst v0;
	v0 =	vld [tilespmem:s23+$0x90]  }
0x48: {  	v6 =	vld [tilespmem:s25+$0xFFFFFE20]  }
0x49: {  	v3 =	vld [tilespmem:s23+$0xFFFFFF20];
	v1 =	vadd.f32 v8, v56  }
0x4a: {  	v8 =	vld [tilespmem:s23+$0xFFFFFFA0]  }
0x4b: {  	[tilespmem:s24+$0x10] =	vst v1;
	v1 =	vadd.f32 v5, v57;
	v5 =	vld [tilespmem:s23+$0xFFFFFFE0]  }
0x4c: {  	v60 =	vld [tilespmem:s25+$0x20]  }
0x4d: {  	[tilespmem:s24+$0x90] =	vst v1;
	v0 =	vadd.f32 v0, v7;
	v1 =	vld [tilespmem:s23+$0x20]  }
0x4e: {  	v7 =	vld [tilespmem:s25+$0xA0]  }
0x4f: {  	v3 =	vadd.f32 v3, v6;
	[tilespmem:s24+$0x110] =	vst v0;
	v0 =	vld [tilespmem:s23+$0x60]  }
0x50: {  	v2 =	vadd.f32 v8, v58;
	v6 =	vld [tilespmem:s25+$0x120]  }
0x51: {  	[tilespmem:s24+$0xFFFFFE20] =	vst v3;
	v3 =	vld [tilespmem:s23+$0xA0]  }
0x52: {  	[tilespmem:s24+$0xFFFFFF20] =	vst v2;
	v2 =	vadd.f32 v5, v59;
	v5 =	vld [tilespmem:s23+$0xFFFFFF70]  }
0x53: {  	v4 =	vld [tilespmem:s25+$0xFFFFFE30]  }
0x54: {  	v8 =	vld [tilespmem:s23+$0xFFFFFF30]  }
0x55: {  	v62 =	vld [tilespmem:s25+$0xFFFFFF30]  }
0x56: {  	[tilespmem:s24+$0xFFFFFFA0] =	vst v2;
	v1 =	vadd.f32 v1, v60;
	v2 =	vld [tilespmem:s23+$0xFFFFFFB0]  }
0x57: {  	v9 =	vadd.f32 v54, v53;
	v63 =	vld [tilespmem:s25+$0xFFFFFFB0]  }
0x58: {  	[tilespmem:s24+$0x20] =	vst v1;
	v1 =	vadd.f32 v0, v7;
	v7 =	vld [tilespmem:s23+$0xFFFFFFF0]  }
0x59: {  	[tilespmem:s24+$0x1B0] =	vst v9;
	v6 =	vadd.f32 v3, v6;
	v0 =	vld [tilespmem:s25+$0x30]  }
0x5a: {  	v3 =	vld [tilespmem:s23+$0x30];
	[tilespmem:s24+$0xA0] =	vst v1;
	v4 =	vadd.f32 v8, v4  }
0x5b: {  	[tilespmem:s24+$0x120] =	vst v6;
	v1 =	vld [tilespmem:s25+$0xB0];
	v6 =	vadd.f32 v2, v62  }
0x5c: {  	v5 =	vadd.f32 v5, v61;
	[tilespmem:s24+$0xFFFFFE30] =	vst v4;
	v4 =	vld [tilespmem:s23+$0x70]  }
0x5d: {  	v2 =	vld [tilespmem:s25+$0x130];
	[tilespmem:s24+$0xFFFFFF30] =	vst v6;
	v6 =	vadd.f32 v7, v63  }
0x5e: {  	s26 =	simm.s32 $0x5100;
	[tilespmem:s24+$0xFFFFFEB0] =	vst v5;
	s25 =	simm.s32 $0x0;
	v5 =	vld [tilespmem:s23+$0xB0]  }
.LBB2_3:
0x5f: {  	v7 =	vld [tilespmem:s26+$0x180];
	[tilespmem:s24+$0xFFFFFFB0] =	vst v6;
	v0 =	vadd.f32 v3, v0;
	s23 =	sadd.s32 $0x200, s23  }
0x60: {  	v3 =	vld [tilespmem:s23+$0xC0]  }
0x61: {  	v6 =	vld [tilespmem:s23+$0xFFFFFF00];
	[tilespmem:s24+$0x30] =	vst v0;
	v0 =	vadd.f32 v4, v1  }
0x62: {  	v1 =	vld [tilespmem:s26+$0xFFFFFE80]  }
0x63: {  	s25 =	sadd.s32 $0x8, s25;
	v4 =	vld [tilespmem:s23+$0xFFFFFF40];
	[tilespmem:s24+$0xB0] =	vst v0;
	v0 =	vadd.f32 v5, v2  }
0x64: {  	p0 =	slt.u32 s25, $0xC0;
	v2 =	vld [tilespmem:s26+$0xFFFFFF00]  }
0x65: {  	v5 =	vld [tilespmem:s23+$0xFFFFFF80];
	v3 =	vadd.f32 v3, v7;
	[tilespmem:s24+$0x130] =	vst v0  }
0x66: {  	s24 =	sadd.s32 $0x400, s24;
	v0 =	vld [tilespmem:s26+$0xFFFFFF80]  }
0x67: {  	v7 =	vld [tilespmem:s23+$0xFFFFFFC0];
	[tilespmem:s24+$0x180] =	vst v3  }
0x68: {  	v1 =	vadd.f32 v4, v1;
	v3 =	vld [tilespmem:s26+$0x190]  }
0x69: {  	v4 =	vld [tilespmem:s23+$0xD0]  }
0x6a: {  	[tilespmem:s24+$0xFFFFFE80] =	vst v1;
	v1 =	vadd.f32 v5, v2;
	v2 =	vld [tilespmem:s26+$0x0]  }
0x6b: {  	v5 =	vld [tilespmem:s23+$0x0]  }
0x6c: {  	[tilespmem:s24+$0xFFFFFF00] =	vst v1;
	v0 =	vadd.f32 v7, v0;
	v1 =	vld [tilespmem:s26+$0x80]  }
0x6d: {  	v7 =	vld [tilespmem:s23+$0x40]  }
0x6e: {  	[tilespmem:s24+$0xFFFFFF80] =	vst v0;
	v0 =	vld [tilespmem:s26+$0x100];
	v3 =	vadd.f32 v4, v3  }
0x6f: {  	v4 =	vld [tilespmem:s23+$0x80]  }
0x70: {  	v8 =	vld [tilespmem:s26+$0xFFFFFE00];
	v2 =	vadd.f32 v5, v2;
	[tilespmem:s24+$0x190] =	vst v3  }
0x71: {  	v3 =	vld [tilespmem:s26+$0x1A0]  }
0x72: {  	[tilespmem:s24+$0x0] =	vst v2;
	v1 =	vadd.f32 v7, v1;
	v2 =	vld [tilespmem:s23+$0xE0]  }
0x73: {  	v5 =	vld [tilespmem:s26+$0xFFFFFE90]  }
0x74: {  	v7 =	vld [tilespmem:s23+$0xFFFFFF50];
	[tilespmem:s24+$0x80] =	vst v1;
	v0 =	vadd.f32 v4, v0  }
0x75: {  	v1 =	vadd.f32 v6, v8;
	v4 =	vld [tilespmem:s26+$0xFFFFFF10]  }
0x76: {  	v6 =	vld [tilespmem:s23+$0xFFFFFF90];
	[tilespmem:s24+$0x100] =	vst v0  }
0x77: {  	[tilespmem:s24+$0xFFFFFE00] =	vst v1;
	v0 =	vld [tilespmem:s26+$0xFFFFFF90];
	v1 =	vadd.f32 v2, v3  }
0x78: {  	v2 =	vld [tilespmem:s26+$0xFFFFFE10]  }
0x79: {  	v3 =	vld [tilespmem:s23+$0xFFFFFF10];
	v5 =	vadd.f32 v7, v5;
	[tilespmem:s24+$0x1A0] =	vst v1  }
0x7a: {  	v1 =	vld [tilespmem:s26+$0x1B0]  }
0x7b: {  	[tilespmem:s24+$0xFFFFFE90] =	vst v5;
	v4 =	vadd.f32 v6, v4;
	v5 =	vld [tilespmem:s23+$0xF0]  }
0x7c: {  	v6 =	vld [tilespmem:s23+$0xFFFFFFD0]  }
0x7d: {  	[tilespmem:s24+$0xFFFFFF10] =	vst v4;
	v4 =	vld [tilespmem:s26+$0x10]  }
0x7e: {  	v2 =	vadd.f32 v3, v2;
	v3 =	vld [tilespmem:s23+$0x10]  }
0x7f: {  	v7 =	vld [tilespmem:s26+$0x90]  }
0x80: {  	[tilespmem:s24+$0xFFFFFE10] =	vst v2;
	v2 =	vld [tilespmem:s23+$0x50];
	v1 =	vadd.f32 v5, v1  }
0x81: {  	v0 =	vadd.f32 v6, v0;
	v5 =	vld [tilespmem:s26+$0x110]  }
0x82: {  	v6 =	vld [tilespmem:s23+$0x90];
	[tilespmem:s24+$0x1B0] =	vst v1  }
0x83: {  	v1 =	vld [tilespmem:s26+$0xFFFFFE20];
	[tilespmem:s24+$0xFFFFFF90] =	vst v0;
	v0 =	vadd.f32 v3, v4  }
0x84: {  	v3 =	vld [tilespmem:s23+$0xFFFFFF20]  }
0x85: {  	v4 =	vld [tilespmem:s26+$0xFFFFFEA0];
	[tilespmem:s24+$0x10] =	vst v0;
	v0 =	vadd.f32 v2, v7  }
0x86: {  	v2 =	vld [tilespmem:s23+$0xFFFFFF60]  }
0x87: {  	v7 =	vld [tilespmem:s26+$0xFFFFFF20];
	[tilespmem:s24+$0x90] =	vst v0;
	v0 =	vadd.f32 v6, v5  }
0x88: {  	v5 =	vld [tilespmem:s23+$0xFFFFFFA0]  }
0x89: {  	v1 =	vadd.f32 v3, v1;
	v3 =	vld [tilespmem:s26+$0xFFFFFFA0];
	[tilespmem:s24+$0x110] =	vst v0  }
0x8a: {  	v0 =	vld [tilespmem:s23+$0xFFFFFFE0]  }
0x8b: {  	[tilespmem:s24+$0xFFFFFE20] =	vst v1;
	v1 =	vadd.f32 v2, v4;
	v2 =	vld [tilespmem:s26+$0x20]  }
0x8c: {  	v4 =	vld [tilespmem:s23+$0x20]  }
0x8d: {  	[tilespmem:s24+$0xFFFFFEA0] =	vst v1;
	v1 =	vadd.f32 v5, v7;
	v5 =	vld [tilespmem:s26+$0xA0]  }
0x8e: {  	v6 =	vld [tilespmem:s23+$0x60]  }
0x8f: {  	[tilespmem:s24+$0xFFFFFF20] =	vst v1;
	v0 =	vadd.f32 v0, v3;
	v1 =	vld [tilespmem:s26+$0x120]  }
0x90: {  	v3 =	vld [tilespmem:s23+$0xA0]  }
0x91: {  	v7 =	vld [tilespmem:s26+$0xFFFFFE30];
	[tilespmem:s24+$0xFFFFFFA0] =	vst v0;
	v0 =	vadd.f32 v4, v2  }
0x92: {  	v2 =	vld [tilespmem:s23+$0xFFFFFF30]  }
0x93: {  	v4 =	vld [tilespmem:s26+$0xFFFFFEB0];
	[tilespmem:s24+$0x20] =	vst v0;
	v0 =	vadd.f32 v6, v5  }
0x94: {  	v5 =	vld [tilespmem:s23+$0xFFFFFF70]  }
0x95: {  	v6 =	vld [tilespmem:s26+$0xFFFFFF30];
	[tilespmem:s24+$0xA0] =	vst v0;
	v0 =	vadd.f32 v3, v1  }
0x96: {  	v1 =	vld [tilespmem:s23+$0xFFFFFFB0]  }
0x97: {  	v2 =	vadd.f32 v2, v7;
	v7 =	vld [tilespmem:s26+$0xFFFFFFB0];
	[tilespmem:s24+$0x120] =	vst v0  }
0x98: {  	v8 =	vld [tilespmem:s23+$0xFFFFFFF0]  }
0x99: {  	[tilespmem:s24+$0xFFFFFE30] =	vst v2;
	v2 =	vadd.f32 v5, v4;
	v0 =	vld [tilespmem:s26+$0x30]  }
.Ltmp0:
0x9a: {  	v3 =	vld [tilespmem:s23+$0x30];
	(pc) =	sbr.rel @p0 .LBB2_3-.Ltmp0, $4  }
0x9b: {  	[tilespmem:s24+$0xFFFFFEB0] =	vst v2;
	v2 =	vadd.f32 v1, v6;
	v1 =	vld [tilespmem:s26+$0xB0]  }
0x9c: {  	v4 =	vld [tilespmem:s23+$0x70]  }
0x9d: {  	[tilespmem:s24+$0xFFFFFF30] =	vst v2;
	v6 =	vadd.f32 v8, v7;
	v2 =	vld [tilespmem:s26+$0x130]  }
0x9e: {  	s26 =	sadd.s32 $0x400, s26;
	v5 =	vld [tilespmem:s23+$0xB0]  }
0x9f: {  	_ =	sdelay $0x1  }
0xa0: {  	p0 =	seq.s32 s22, $0xF;
	v0 =	vadd.f32 v3, v0  }
0xa1: {  	[tilespmem:s24+$0xFFFFFFB0] =	vst v6;
	s23 =	smul.u32 @!p0 $0x640, s22;
	v1 =	vadd.f32 v4, v1  }
0xa2: {  	[tilespmem:s24+$0x30] =	vst v0;
	v0 =	vadd.f32 v5, v2  }
0xa3: {  	s26 =	simm.s32 @!p0 $0xC8;
	s23 =	sshra.s32 @!p0 s23, $0x2;
	[tilespmem:s24+$0xB0] =	vst v1  }
0xa4: {  	s28 =	simm.s32 @!p0 $0x4B00;
	s25 =	sadd.s32 @!p0 $0x190, s23;
	[tilespmem:s24+$0x130] =	vst v0;
	s24 =	smul.u32 $0x190, s22  }
0xa5: {  	[tilespmem:s28], [sflag:$0x1] =	stream.indirect.gather @!p0 [hbm4b:s4+s26], $0x80, s25, s26, $0xb8;
	[tilespmem:$0x1DB00] =	vst v63  }
0xa6: {  	s31 =	sadd.s32 s3, s24  }
0xa7: {  	s25 =	sshll.u32 s31, $0x4  }
0xa8: {  	s25 =	sadd.s32 s6, s25  }
0xa9: {  	[hbm4b:s25+s2] =	stream.linear.scatter [tilespmem:s16], [sflag:$0x3], $0x6400, $0x38;
	[tilespmem:$0x1DB00] =	vst v63  }
0xaa: {  	_ =	swait.ge [sflag:s17], $0x6400  }
0xab: {  	[sflag:s17] =	ssyncset.done $0x0  }
0xac: {  	s25 =	simm.s32 @!p1 $0x4;
	[sflag:s17] =	ssyncadd.s32 $0xFFFF9C00  }
0xad: {  	_ =	swait.ge @!p1 [sflag:s25], $0x6400  }
0xae: {  	[sflag:s25] =	ssyncset.done @!p1 $0x0  }
0xaf: {  	s28 =	simm.s32 $0xB100;
	[sflag:s25] =	ssyncadd.s32 @!p1 $0xFFFF9C00  }
0xb0: {  	s25 =	simm.s32 $0x1A00;
	v0 =	vld [tilespmem:s28+$0x180]  }
0xb1: {  	v1 =	vld [tilespmem:s25+$0xC0]  }
0xb2: {  	v2 =	vld [tilespmem:s25+$0xFFFFFF00]  }
0xb3: {  	v3 =	vld [tilespmem:s28+$0xFFFFFE80]  }
0xb4: {  	v4 =	vld [tilespmem:s25+$0xFFFFFF40]  }
0xb5: {  	v5 =	vld [tilespmem:s28+$0xFFFFFF00]  }
0xb6: {  	v6 =	vld [tilespmem:s25+$0xFFFFFF80]  }
0xb7: {  	v7 =	vld [tilespmem:s25+$0xFFFFFFC0]  }
0xb8: {  	v9 =	vld [tilespmem:s28+$0x0]  }
0xb9: {  	v10 =	vld [tilespmem:s25+$0x0]  }
0xba: {  	v11 =	vld [tilespmem:s28+$0x80]  }
0xbb: {  	v12 =	vld [tilespmem:s25+$0x40];
	v0 =	vadd.f32 v1, v0  }
0xbc: {  	s26 =	simm.s32 $0x17900;
	v1 =	vld [tilespmem:s28+$0xFFFFFF80]  }
0xbd: {  	v3 =	vadd.f32 v4, v3;
	v4 =	vld [tilespmem:s28+$0xFFFFFE00];
	[tilespmem:s26+$0x180] =	vst v0  }
0xbe: {  	v0 =	vld [tilespmem:s28+$0x190]  }
0xbf: {  	v8 =	vld [tilespmem:s25+$0xD0]  }
0xc0: {  	v13 =	vld [tilespmem:s28+$0x100];
	[tilespmem:s26+$0xFFFFFE80] =	vst v3;
	v3 =	vadd.f32 v6, v5  }
0xc1: {  	v6 =	vld [tilespmem:s28+$0xFFFFFE90]  }
0xc2: {  	[tilespmem:s26+$0xFFFFFF00] =	vst v3;
	v3 =	vld [tilespmem:s25+$0xFFFFFF50];
	v1 =	vadd.f32 v7, v1  }
0xc3: {  	v2 =	vadd.f32 v2, v4;
	v4 =	vld [tilespmem:s28+$0xFFFFFF10]  }
0xc4: {  	[tilespmem:s26+$0xFFFFFF80] =	vst v1;
	v1 =	vld [tilespmem:s25+$0xFFFFFF90];
	v0 =	vadd.f32 v8, v0  }
0xc5: {  	[tilespmem:s26+$0xFFFFFE00] =	vst v2;
	v2 =	vld [tilespmem:s28+$0xFFFFFF90]  }
0xc6: {  	v54 =	vld [tilespmem:s25+$0xFFFFFFD0];
	[tilespmem:s26+$0x190] =	vst v0  }
0xc7: {  	v3 =	vadd.f32 v3, v6;
	v0 =	vld [tilespmem:s28+$0x1A0]  }
0xc8: {  	v5 =	vld [tilespmem:s25+$0xE0]  }
0xc9: {  	v8 =	vld [tilespmem:s25+$0x80];
	[tilespmem:s26+$0xFFFFFE90] =	vst v3;
	v1 =	vadd.f32 v1, v4  }
0xca: {  	v4 =	vld [tilespmem:s28+$0xFFFFFEA0]  }
0xcb: {  	[tilespmem:s26+$0xFFFFFF10] =	vst v1;
	v1 =	vadd.f32 v54, v2;
	v2 =	vld [tilespmem:s25+$0xFFFFFF60]  }
0xcc: {  	v7 =	vld [tilespmem:s25+$0xFFFFFF10]  }
0xcd: {  	v57 =	vld [tilespmem:s28+$0xFFFFFF20];
	v0 =	vadd.f32 v5, v0  }
0xce: {  	v5 =	vld [tilespmem:s28+$0xFFFFFE10];
	[tilespmem:s26+$0xFFFFFF90] =	vst v1  }
0xcf: {  	v58 =	vld [tilespmem:s28+$0xFFFFFFA0];
	[tilespmem:s26+$0x1A0] =	vst v0;
	v0 =	vadd.f32 v10, v9  }
0xd0: {  	v52 =	vld [tilespmem:s28+$0x1B0];
	v2 =	vadd.f32 v2, v4  }
0xd1: {  	v53 =	vld [tilespmem:s25+$0xF0];
	[tilespmem:s26+$0x0] =	vst v0;
	v0 =	vadd.f32 v12, v11  }
0xd2: {  	v55 =	vld [tilespmem:s28+$0x10];
	[tilespmem:s26+$0xFFFFFEA0] =	vst v2  }
0xd3: {  	[tilespmem:s26+$0x80] =	vst v0;
	v0 =	vadd.f32 v8, v13;
	v8 =	vld [tilespmem:s25+$0x10]  }
0xd4: {  	v60 =	vld [tilespmem:s28+$0xFFFFFEB0]  }
0xd5: {  	v56 =	vld [tilespmem:s28+$0x90]  }
0xd6: {  	[tilespmem:s26+$0x100] =	vst v0;
	v0 =	vadd.f32 v7, v5;
	v5 =	vld [tilespmem:s25+$0x50]  }
0xd7: {  	v7 =	vld [tilespmem:s28+$0x110]  }
0xd8: {  	[tilespmem:s26+$0xFFFFFE10] =	vst v0;
	v0 =	vld [tilespmem:s25+$0x90]  }
0xd9: {  	v6 =	vld [tilespmem:s28+$0xFFFFFE20]  }
0xda: {  	v3 =	vld [tilespmem:s25+$0xFFFFFF20];
	v1 =	vadd.f32 v8, v55  }
0xdb: {  	v8 =	vld [tilespmem:s25+$0xFFFFFFA0]  }
0xdc: {  	[tilespmem:s26+$0x10] =	vst v1;
	v1 =	vadd.f32 v5, v56;
	v5 =	vld [tilespmem:s25+$0xFFFFFFE0]  }
0xdd: {  	v59 =	vld [tilespmem:s28+$0x20]  }
0xde: {  	[tilespmem:s26+$0x90] =	vst v1;
	v0 =	vadd.f32 v0, v7;
	v1 =	vld [tilespmem:s25+$0x20]  }
0xdf: {  	v7 =	vld [tilespmem:s28+$0xA0]  }
0xe0: {  	v3 =	vadd.f32 v3, v6;
	[tilespmem:s26+$0x110] =	vst v0;
	v0 =	vld [tilespmem:s25+$0x60]  }
0xe1: {  	v2 =	vadd.f32 v8, v57;
	v6 =	vld [tilespmem:s28+$0x120]  }
0xe2: {  	[tilespmem:s26+$0xFFFFFE20] =	vst v3;
	v3 =	vld [tilespmem:s25+$0xA0]  }
0xe3: {  	[tilespmem:s26+$0xFFFFFF20] =	vst v2;
	v2 =	vadd.f32 v5, v58;
	v5 =	vld [tilespmem:s25+$0xFFFFFF70]  }
0xe4: {  	v4 =	vld [tilespmem:s28+$0xFFFFFE30]  }
0xe5: {  	v8 =	vld [tilespmem:s25+$0xFFFFFF30]  }
0xe6: {  	v61 =	vld [tilespmem:s28+$0xFFFFFF30]  }
0xe7: {  	v62 =	vld [tilespmem:s25+$0xFFFFFFB0];
	[tilespmem:s26+$0xFFFFFFA0] =	vst v2;
	v1 =	vadd.f32 v1, v59  }
0xe8: {  	v2 =	vadd.f32 v53, v52;
	v63 =	vld [tilespmem:s28+$0xFFFFFFB0]  }
0xe9: {  	[tilespmem:s26+$0x20] =	vst v1;
	v1 =	vadd.f32 v0, v7;
	v7 =	vld [tilespmem:s25+$0xFFFFFFF0]  }
0xea: {  	[tilespmem:s26+$0x1B0] =	vst v2;
	v3 =	vadd.f32 v3, v6;
	v0 =	vld [tilespmem:s28+$0x30]  }
0xeb: {  	v2 =	vld [tilespmem:s25+$0x30];
	[tilespmem:s26+$0xA0] =	vst v1;
	v4 =	vadd.f32 v8, v4  }
0xec: {  	[tilespmem:s26+$0x120] =	vst v3;
	v3 =	vadd.f32 v5, v60;
	v1 =	vld [tilespmem:s28+$0xB0]  }
0xed: {  	v5 =	vadd.f32 v62, v61;
	[tilespmem:s26+$0xFFFFFE30] =	vst v4;
	v4 =	vld [tilespmem:s25+$0x70]  }
0xee: {  	[tilespmem:s26+$0xFFFFFEB0] =	vst v3;
	v3 =	vld [tilespmem:s28+$0x130];
	v6 =	vadd.f32 v7, v63  }
0xef: {  	s29 =	simm.s32 $0xB500;
	s28 =	simm.s32 $0x0;
	[tilespmem:s26+$0xFFFFFF30] =	vst v5;
	v5 =	vld [tilespmem:s25+$0xB0]  }
.LBB2_5:
0xf0: {  	v7 =	vld [tilespmem:s29+$0x180];
	[tilespmem:s26+$0xFFFFFFB0] =	vst v6;
	v0 =	vadd.f32 v2, v0;
	s25 =	sadd.s32 $0x200, s25  }
0xf1: {  	v2 =	vld [tilespmem:s25+$0xC0]  }
0xf2: {  	v6 =	vld [tilespmem:s25+$0xFFFFFF00];
	[tilespmem:s26+$0x30] =	vst v0;
	v0 =	vadd.f32 v4, v1  }
0xf3: {  	v1 =	vld [tilespmem:s29+$0xFFFFFE80]  }
0xf4: {  	s28 =	sadd.s32 $0x8, s28;
	v4 =	vld [tilespmem:s25+$0xFFFFFF40];
	[tilespmem:s26+$0xB0] =	vst v0;
	v0 =	vadd.f32 v5, v3  }
0xf5: {  	p1 =	slt.u32 s28, $0xC0;
	v3 =	vld [tilespmem:s29+$0xFFFFFF00]  }
0xf6: {  	v5 =	vld [tilespmem:s25+$0xFFFFFF80];
	v2 =	vadd.f32 v2, v7;
	[tilespmem:s26+$0x130] =	vst v0  }
0xf7: {  	s26 =	sadd.s32 $0x400, s26;
	v0 =	vld [tilespmem:s29+$0xFFFFFF80]  }
0xf8: {  	v7 =	vld [tilespmem:s25+$0xFFFFFFC0];
	[tilespmem:s26+$0x180] =	vst v2  }
0xf9: {  	v1 =	vadd.f32 v4, v1;
	v2 =	vld [tilespmem:s29+$0x190]  }
0xfa: {  	v4 =	vld [tilespmem:s25+$0xD0]  }
0xfb: {  	[tilespmem:s26+$0xFFFFFE80] =	vst v1;
	v1 =	vadd.f32 v5, v3;
	v3 =	vld [tilespmem:s29+$0x0]  }
0xfc: {  	v5 =	vld [tilespmem:s25+$0x0]  }
0xfd: {  	[tilespmem:s26+$0xFFFFFF00] =	vst v1;
	v0 =	vadd.f32 v7, v0;
	v1 =	vld [tilespmem:s29+$0x80]  }
0xfe: {  	v7 =	vld [tilespmem:s25+$0x40]  }
0xff: {  	[tilespmem:s26+$0xFFFFFF80] =	vst v0;
	v0 =	vld [tilespmem:s29+$0x100];
	v2 =	vadd.f32 v4, v2  }
0x100: {  	v4 =	vld [tilespmem:s25+$0x80]  }
0x101: {  	v8 =	vld [tilespmem:s29+$0xFFFFFE00];
	v3 =	vadd.f32 v5, v3;
	[tilespmem:s26+$0x190] =	vst v2  }
0x102: {  	v2 =	vld [tilespmem:s29+$0x1A0]  }
0x103: {  	[tilespmem:s26+$0x0] =	vst v3;
	v1 =	vadd.f32 v7, v1;
	v3 =	vld [tilespmem:s25+$0xE0]  }
0x104: {  	v5 =	vld [tilespmem:s29+$0xFFFFFE90]  }
0x105: {  	v7 =	vld [tilespmem:s25+$0xFFFFFF50];
	[tilespmem:s26+$0x80] =	vst v1;
	v0 =	vadd.f32 v4, v0  }
0x106: {  	v1 =	vadd.f32 v6, v8;
	v4 =	vld [tilespmem:s29+$0xFFFFFF10]  }
0x107: {  	v6 =	vld [tilespmem:s25+$0xFFFFFF90];
	[tilespmem:s26+$0x100] =	vst v0  }
0x108: {  	[tilespmem:s26+$0xFFFFFE00] =	vst v1;
	v0 =	vld [tilespmem:s29+$0xFFFFFF90];
	v1 =	vadd.f32 v3, v2  }
0x109: {  	v2 =	vld [tilespmem:s29+$0xFFFFFE10]  }
0x10a: {  	v3 =	vld [tilespmem:s25+$0xFFFFFF10];
	v5 =	vadd.f32 v7, v5;
	[tilespmem:s26+$0x1A0] =	vst v1  }
0x10b: {  	v1 =	vld [tilespmem:s29+$0x1B0]  }
0x10c: {  	[tilespmem:s26+$0xFFFFFE90] =	vst v5;
	v4 =	vadd.f32 v6, v4;
	v5 =	vld [tilespmem:s25+$0xF0]  }
0x10d: {  	v6 =	vld [tilespmem:s25+$0xFFFFFFD0]  }
0x10e: {  	[tilespmem:s26+$0xFFFFFF10] =	vst v4;
	v4 =	vld [tilespmem:s29+$0x10]  }
0x10f: {  	v2 =	vadd.f32 v3, v2;
	v3 =	vld [tilespmem:s25+$0x10]  }
0x110: {  	v7 =	vld [tilespmem:s29+$0x90]  }
0x111: {  	[tilespmem:s26+$0xFFFFFE10] =	vst v2;
	v2 =	vld [tilespmem:s25+$0x50];
	v1 =	vadd.f32 v5, v1  }
0x112: {  	v0 =	vadd.f32 v6, v0;
	v5 =	vld [tilespmem:s29+$0x110]  }
0x113: {  	v6 =	vld [tilespmem:s25+$0x90];
	[tilespmem:s26+$0x1B0] =	vst v1  }
0x114: {  	v1 =	vld [tilespmem:s29+$0xFFFFFE20];
	[tilespmem:s26+$0xFFFFFF90] =	vst v0;
	v0 =	vadd.f32 v3, v4  }
0x115: {  	v3 =	vld [tilespmem:s25+$0xFFFFFF20]  }
0x116: {  	v4 =	vld [tilespmem:s29+$0xFFFFFEA0];
	[tilespmem:s26+$0x10] =	vst v0;
	v0 =	vadd.f32 v2, v7  }
0x117: {  	v2 =	vld [tilespmem:s25+$0xFFFFFF60]  }
0x118: {  	v7 =	vld [tilespmem:s29+$0xFFFFFF20];
	[tilespmem:s26+$0x90] =	vst v0;
	v0 =	vadd.f32 v6, v5  }
0x119: {  	v5 =	vld [tilespmem:s25+$0xFFFFFFA0]  }
0x11a: {  	v1 =	vadd.f32 v3, v1;
	v3 =	vld [tilespmem:s29+$0xFFFFFFA0];
	[tilespmem:s26+$0x110] =	vst v0  }
0x11b: {  	v0 =	vld [tilespmem:s25+$0xFFFFFFE0]  }
0x11c: {  	[tilespmem:s26+$0xFFFFFE20] =	vst v1;
	v1 =	vadd.f32 v2, v4;
	v2 =	vld [tilespmem:s29+$0x20]  }
0x11d: {  	v4 =	vld [tilespmem:s25+$0x20]  }
0x11e: {  	[tilespmem:s26+$0xFFFFFEA0] =	vst v1;
	v1 =	vadd.f32 v5, v7;
	v5 =	vld [tilespmem:s29+$0xA0]  }
0x11f: {  	v6 =	vld [tilespmem:s25+$0x60]  }
0x120: {  	[tilespmem:s26+$0xFFFFFF20] =	vst v1;
	v0 =	vadd.f32 v0, v3;
	v1 =	vld [tilespmem:s29+$0x120]  }
0x121: {  	v3 =	vld [tilespmem:s25+$0xA0]  }
0x122: {  	v7 =	vld [tilespmem:s29+$0xFFFFFE30];
	[tilespmem:s26+$0xFFFFFFA0] =	vst v0;
	v0 =	vadd.f32 v4, v2  }
0x123: {  	v2 =	vld [tilespmem:s25+$0xFFFFFF30]  }
0x124: {  	v4 =	vld [tilespmem:s29+$0xFFFFFEB0];
	[tilespmem:s26+$0x20] =	vst v0;
	v0 =	vadd.f32 v6, v5  }
0x125: {  	v5 =	vld [tilespmem:s25+$0xFFFFFF70]  }
0x126: {  	v6 =	vld [tilespmem:s29+$0xFFFFFF30];
	[tilespmem:s26+$0xA0] =	vst v0;
	v0 =	vadd.f32 v3, v1  }
0x127: {  	v1 =	vld [tilespmem:s25+$0xFFFFFFB0]  }
0x128: {  	v2 =	vadd.f32 v2, v7;
	v3 =	vld [tilespmem:s29+$0xFFFFFFB0];
	[tilespmem:s26+$0x120] =	vst v0  }
0x129: {  	v7 =	vld [tilespmem:s25+$0xFFFFFFF0]  }
0x12a: {  	[tilespmem:s26+$0xFFFFFE30] =	vst v2;
	v4 =	vadd.f32 v5, v4;
	v0 =	vld [tilespmem:s29+$0x30]  }
.Ltmp1:
0x12b: {  	v2 =	vld [tilespmem:s25+$0x30];
	(pc) =	sbr.rel @p1 .LBB2_5-.Ltmp1, $4  }
0x12c: {  	[tilespmem:s26+$0xFFFFFEB0] =	vst v4;
	v5 =	vadd.f32 v1, v6;
	v1 =	vld [tilespmem:s29+$0xB0]  }
0x12d: {  	v4 =	vld [tilespmem:s25+$0x70]  }
0x12e: {  	[tilespmem:s26+$0xFFFFFF30] =	vst v5;
	v6 =	vadd.f32 v7, v3;
	v3 =	vld [tilespmem:s29+$0x130]  }
0x12f: {  	s29 =	sadd.s32 $0x400, s29;
	v5 =	vld [tilespmem:s25+$0xB0]  }
0x130: {  	_ =	sdelay $0x1  }
0x131: {  	v0 =	vadd.f32 v2, v0  }
0x132: {  	[tilespmem:s26+$0xFFFFFFB0] =	vst v6;
	v1 =	vadd.f32 v4, v1  }
0x133: {  	[tilespmem:s26+$0x30] =	vst v0;
	v63 =	vadd.f32 v5, v3  }
0x134: {  	s23 =	sadd.s32 @!p0 $0x258, s23;
	[tilespmem:s26+$0xB0] =	vst v1  }
0x135: {  	s25 =	simm.s32 @!p0 $0xC8;
	s22 =	sadd.s32 $0x1, s22;
	[tilespmem:s26+$0x130] =	vst v63;
	s26 =	simm.s32 @!p0 $0xAF00  }
0x136: {  	[tilespmem:s26], [sflag:$0x2] =	stream.indirect.gather @!p0 [hbm4b:s4+s25], $0x80, s23, s25, $0xb8;
	[tilespmem:$0x1DB00] =	vst v63  }
0x137: {  	p0 =	sne.s32 s22, $0x10  }
.Ltmp2:
0x138: {  	s31 =	sadd.s32 s24, s8;
	(pc) =	sbr.rel @p0 .LBB2_2-.Ltmp2, $4  }
0x139: {  	s23 =	sshll.u32 s31, $0x4  }
0x13a: {  	s23 =	sand.u32 $0x1FFFFF80, s23  }
0x13b: {  	s23 =	sadd.s32 s6, s23  }
0x13c: {  	[hbm4b:s23+s2] =	stream.linear.scatter [tilespmem:s18], [sflag:$0x4], $0x6400, $0x38;
	[tilespmem:$0x1DB00] =	vst v63  }
0x13d: {  	s21 =	sadd.s32 $0x1, s21  }
0x13e: {  	_ =	swait.ge [sflag:s19], $0x6400;
	p0 =	sne.s32 s21, s9  }
.Ltmp3:
0x13f: {  	[sflag:s19] =	ssyncset.done $0x0;
	(pc) =	sbr.rel @p0 .LBB2_1-.Ltmp3, $4  }
0x140: {  	[sflag:s19] =	ssyncadd.s32 $0xFFFF9C00  }
0x141: {  	_ =	swait.ge [sflag:s20], $0x6400  }
0x142: {  	[sflag:s20] =	ssyncset.done $0x0  }
0x143: {  	[sflag:s20] =	ssyncadd.s32 $0xFFFF9C00  }
0x144: {  	_ =	sfence.sel $0x180000  }
0x145: {  	[bflag:$0x0] =	sbarrier.arrive $0xFFFF  }
0x146: {  	p0 =	sne.s32 s1, $0x0;
	_ =	strace $0x90000047  }
0x147: {  	s0 =	sadd.s32 @!p0 $0x100000, s0;
	[bflag:$0x2] =	sbarrier.arrive $0xFFFF  }
0x148: {  	[sflag:s0] =	ssyncadd.tile.s32 @!p0 $0x1;
	_ =	shalt  }
.Lfunc_end2:
_tile_overlayer_lowered:
.L_overlay_start_2:
0x149: {  	(tag) =	ssettag $0x2  }
0x14a: {  	s0 =	rddreg [dreg:$0x0];
	s2 =	stileid.u32  }
0x14b: {  	s1 =	rddreg [dreg:$0x1];
	p0 =	sne.s32 s2, $0x0  }
0x14c: {  	s3 =	rddreg [dreg:$0x2];
	[bflag:$0x3] =	sbarrier.arrive $0xFFFF;
	s2 =	simm.s32 @!p0 $0x1C05  }
0x14d: {  	[timem:s3], [sflag:s2] =	dma.local @!p0 [hbm:s0], s1  }
0x14e: {  	s0 =	simm.s32 @!p0 $0x5  }
0x14f: {  	_ =	swait.ge @!p0 [sflag:s0], s1  }
0x150: {  	s1 =	ssub.s32 @!p0 $0x0, s1;
	[sflag:s0] =	ssyncset.done @!p0 $0x0  }
0x151: {  	[sflag:s0] =	ssyncadd.s32 @!p0 s1  }
0x152: {  	[bflag:$0x3] =	sbarrier.arrive $0xFFFF  }
0x153: {  	_ =	shalt  }

// kernel: sparse-core-data-format-call.cloned.1.call-start
scs
called_computation_lowered:
.L_overlay_start_0:
0x0: {  	s2 =	sld [smem:$0x3FD9]  }
0x1: {  	s3 =	sld [smem:$0x3FFE];
	_ =	sdelay $0x1  }
0x2: {  	s1 =	srdreg.scid  }
0x3: {  	s0 =	sand.u32 $0x1, s1  }
0x4: {  	s18 =	sshll.u32 s0, $0xA;
	s2 =	sadd.s32 s3, s2  }
0x5: {  	s2 =	sadd.s32 s2, s18  }
0x6: {  	[smem:$0x3FC6] =	sst s2  }
0x7: {  	_ = 	snop  }
0x8: {  	s2 =	sld [smem:$0x3FD0];
	(tm) =	ssettm $0x1  }
0x9: {  	s19 =	sld [smem:$0x3FFB];
	_ =	sdelay $0x3  }
0xa: {  	_ =	strace s19  }
0xb: {  	s3 =	sld [smem:$0x3FFC];
	_ =	sdelay $0x3  }
0xc: {  	_ =	strace s3  }
0xd: {  	s3 =	sld [smem:$0x3FFD];
	_ =	sdelay $0x3  }
0xe: {  	_ =	strace s3  }
0xf: {  	_ =	strace $0x8FFFFFFF  }
0x10: {  	s20 =	sld [smem:$0x3FDB];
	_ =	sdelay $0x1  }
0x11: {  	s4 =	simm.s32 $_scs_section_size  }
0x12: {  	s5 =	simm.s32 $_size__tile_overlayer_lowered;
	s6 =	simm.s32 $_tile_overlayer_lowered  }
0x13: {  	s23 =	simm.s32 $0x1BFF;
	s22 =	sshll.u32 s6, $0x1;
	s3 =	sadd.s32 s4, s20  }
0x14: {  	s7 =	simm.s32 $0x0;
	s21 =	sshll.u32 s5, $0x1;
	s5 =	sadd.s32 s22, s3  }
0x15: {  	[timem:s7], [sflag:s23] =	dma.local [hbm:s5], s21  }
0x16: {  	_ =	swait.ge [sflag:s23], s21  }
0x17: {  	s4 =	ssub.s32 $0x0, s21;
	[sflag:s23] =	ssyncset.done $0x0  }
0x18: {  	[sflag:s23] =	ssyncadd.s32 s4;
	_ =	sdelay $0x1  }
0x19: {  	s24 =	simm.s32 $0x1B8B  }
0x1a: {  	_ =	swait.ge [sflag:s24], $0x1  }
0x1b: {  	[sflag:s24] =	ssyncset.done $0x0  }
0x1c: {  	s26 =	simm.s32 $0x1B8E;
	s25 =	sld [smem:$0x3FFE];
	[sflag:s24] =	ssyncadd.s32 $0xFFFFFFFF  }
0x1d: {  	s27 =	simm.s32 $execute0_lowered;
	[smem:$0x3FD2] =	sst s26  }
0x1e: {  	s5 =	sshll.u32 s27, $0x1;
	_ =	strace $0x80000049;
	[dreg:$0x1] =	wrdreg $0xFFFFFFFF  }
0x1f: {  	s28 =	simm.s32 $_size_execute0_lowered;
	s3 =	sadd.s32 s3, s5;
	[dreg:$0x0] =	wrdreg $0x0  }
0x20: {  	s5 =	sshll.u32 s28, $0x1;
	[dreg:$0x2] =	wrdreg s3  }
0x21: {  	[dreg:$0x3] =	wrdreg s5  }
0x22: {  	[dreg:$0x4] =	wrdreg $0xC0  }
0x23: {  	_ =	task [dreg:s7], $0x5FFFF  }
0x24: {  	[dreg:$0x1] =	wrdreg $0xFFFFFFFF  }
0x25: {  	[dreg:$0x0] =	wrdreg $0x60  }
0x26: {  	[dreg:$0x2] =	wrdreg s25  }
0x27: {  	[dreg:$0x3] =	wrdreg s2  }
0x28: {  	[dreg:$0x4] =	wrdreg $0x9  }
0x29: {  	_ =	task.clear_ibuf [dreg:s7], $0x5FFFF;
	_ =	strace $0x90000049  }
0x2a: {  	s29 =	simm.s32 $0x9;
	_ =	strace $0x8000004B  }
0x2b: {  	_ =	swait.ge [sflag:s29], $0x1  }
0x2c: {  	[sflag:s29] =	ssyncadd.s32 $0xFFFFFFFF  }
0x2d: {  	_ =	strace $0x9000004B  }
0x2e: {  	_ =	sfence  }
0x2f: {  	s30 =	sld [smem:$0x0];
	_ =	sdelay $0x2  }
0x30: {  	s31 =	sshll.u32 s1, $0xD;
	s1 =	sshrl.u32 s1, $0x2  }
0x31: {  	s3 =	sand.u32 $0x4000, s31;
	s1 =	sadd.s32 s1, s30  }
0x32: {  	s0 =	sor.u32 s3, s0;
	s1 =	sshll.u32 s1, $0x11  }
0x33: {  	s0 =	sor.u32 s1, s0  }
0x34: {  	s0 =	sadd.s32 $0x8F2B, s0  }
0x35: {  	[sflag:s0] =	ssyncadd.remote.s32 $0x1  }
0x36: {  	_ =	sfence.sel $0xFFFF  }
0x37: {  	[dreg:$0x0] =	wrdreg $0xFFFFFFFF;
	(pc) =	sbr.abs _section_cstart, $3  }
0x38: {  	[dreg:$0x1] =	wrdreg $0xFFFFFFFF  }
0x39: {  	_ =	task.clear_ibuf [dreg:s7], $0x2FFFF;
	_ =	strace $0x9FFFFFFF  }
0x3a: {  	(tm) =	ssettm $0x7FFFFFFF  }
0x3b: {  	_ =	shalt  }
tec
execute0_lowered:
.L_overlay_start_1:
0x0: {  	(tag) =	ssettag $0x1  }
0x1: {  	s0 =	stileid.u32;
	s6 =	rddreg [dreg:$0x0]  }
0x2: {  	s2 =	rddreg [dreg:$0x1];
	s5 =	srdreg.scid  }
0x3: {  	s31 =	simm.s32 $0x2;
	s13 =	simm.s32 $0x0;
	s1 =	sshll.u32 s0, $0x7  }
0x4: {  	s14 =	simm.s32 $0x0;
	s12 =	simm.s32 $0x0;
	s3 =	sand.u32 $0x380, s1  }
0x5: {  	s5 =	sshll.u32 s5, $0x4;
	s6 =	sadd.s32 $0xE00, s6;
	s4 =	ssub.s32 $0x400, s3  }
0x6: {  	s1 =	rddreg [dreg:$0x2];
	_ =	strace $0x8000004A;
	s7 =	sand.u32 $0x380, s4  }
0x7: {  	s5 =	sand.u32 $0x10, s5;
	p0 =	sne.s32 s7, $0x0;
	s7 =	simm.s32 $0x1  }
.Ltmp0:
0x8: {  	s8 =	sshrl.u32 s4, $0xA;
	s7 =	simm.s32 @!p0 $0x0;
	(pc) =	sbr.rel .LBB1_1-.Ltmp0, $4  }
0x9: {  	s9 =	sor.u32 s0, s5;
	s4 =	simm.s32 $0x1;
	s30 =	sadd.s32 s7, s8  }
0xa: {  	s11 =	smov.u32 s3;
	[sflag:s4] =	ssyncpa.u1 $0x0;
	s5 =	smul.u32 $0x32, s30  }
0xb: {  	[sflag:s31] =	ssyncpa.u1 $0x0;
	p0 =	por $0x0, $0x0;
	s7 =	sshrl.u32 s9, $0x3  }
0xc: {  	s9 =	simm.s32 $0x2000;
	s10 =	smov.u32 s7;
	s8 =	sor.u32 $0x1, s5  }
.LBB1_4:
0xd: {  	s17 =	sand.u32 $0x1F80, s14;
	s13 =	sshll.u32 s13, $0xD  }
0xe: {  	[tilespmem:s16+$0x810 ss:$0x81] =	vst.msk $0xffff, v2;
	s18 =	sshrl.u32 s14, $0x3;
	s31 =	sand.u32 $0x7, s14;
	s17 =	sadd.s32 s2, s17  }
0xf: {  	[tilespmem:s16+$0x1020 ss:$0x81] =	vst.msk $0xffff, v0;
	s18 =	sand.u32 $0xF, s18;
	s14 =	sshll.u32 s31, $0x12;
	s13 =	sadd.s32 s13, s17  }
0x10: {  	[tilespmem:s16+$0x0 ss:$0x81] =	vst.msk $0xffff, v1;
	s14 =	sor.u32 $0x400, s14;
	s13 =	sadd.s32 s18, s13  }
0x11: {  	[hbm4b:s13+s14] =	stream.strided.scatter [tilespmem:s15], [sflag:$0x2], $0x2000, s9, s14, $0x20;
	[tilespmem:$0x8080] =	vst v63  }
.LBB1_5:
0x12: {  	s15 =	sadd.s32 $0x4, s10  }
0x13: {  	s13 =	sadd.s32 $0x400, s11;
	s17 =	smov.u32 s11;
	p2 =	sgt.s32 s15, $0xC7  }
0x14: {  	s17 =	smov.u32 @p2 s13  }
0x15: {  	s15 =	smov.u32 @p2 s7;
	p2 =	sgt.s32 s17, $0x3FF  }
0x16: {  	s17 =	smov.u32 @p2 s3;
	p2 =	sne.s32 s12, s8  }
.Ltmp1:
0x17: {  	p1 =	slt.u32 s12, $0x2;
	(pc) =	sbr.rel @!p2 .LBB1_6-.Ltmp1, $4  }
0x18: {  	s16 =	simm.s32 @!p1 $0x2  }
0x19: {  	s14 =	smov.u32 s11;
	p0 =	por !p0, !p0;
	_ =	swait.ge @!p1 [sflag:s16], $0x2000  }
0x1a: {  	s13 =	smov.u32 s10;
	[sflag:s16] =	ssyncset.done @!p1 $0x0;
	s10 =	smov.u32 s15  }
0x1b: {  	s12 =	sadd.s32 $0x1, s12;
	[sflag:s16] =	ssyncadd.s32 @!p1 $0xFFFFE000;
	s11 =	smov.u32 s17  }
.LBB1_1:
0x1c: {  	p1 =	sge.u32 s12, s5  }
0x1d: {  	s15 =	sand.u32 @!p1 $0x1FFFFFF, s10  }
0x1e: {  	s16 =	smulhi.u32 @!p1 $0x147AE15, s15;
	_ =	sdelay $0x1  }
0x1f: {  	s16 =	smul.u32 @!p1 $0xC8, s16  }
0x20: {  	s17 =	sxor.u32 @!p1 $0xFFFFFFFF, s12;
	s18 =	smul.u32 @!p1 $0xC80, s11  }
0x21: {  	s31 =	sadd.s32 $0xFFFFFFFF, s12;
	s17 =	sshll.u32 @!p1 s17, $0xD;
	s15 =	ssub.s32 @!p1 s15, s16  }
0x22: {  	s16 =	sand.u32 @!p1 $0x2000, s17;
	s17 =	sadd.s32 @!p1 s6, s18;
	s15 =	sshll.u32 @!p1 s15, $0x4  }
0x23: {  	s18 =	simm.s32 @!p1 $0x6400;
	s15 =	sadd.s32 @!p1 s15, s17;
	s17 =	simm.s32 @!p1 $0x40  }
0x24: {  	[tilespmem:s16], [sflag:$0x1] =	stream.strided.gather @!p1 [hbm4b:s15+s17], $0x2000, s18, s17, $0x38;
	[tilespmem:$0x8080] =	vst v63  }
0x25: {  	p1 =	sge.u32 s31, s5  }
.Ltmp2:
0x26: {  	_ = 	snop;
	(pc) =	sbr.rel @p1 .LBB1_5-.Ltmp2, $1  }
0x27: {  	_ =	sdelay $0x3  }
0x28: {  	s15 =	simm.s32 $0x1  }
0x29: {  	_ =	swait.ge [sflag:s4], $0x2000;
	s15 =	simm.s32 @!p0 $0x0  }
0x2a: {  	[sflag:s4] =	ssyncset.done $0x0;
	s16 =	sshll.u32 s15, $0xD  }
0x2b: {  	[sflag:s4] =	ssyncadd.s32 $0xFFFFE000;
	s19 =	sor.u32 $0x20, s16  }
0x2c: {  	s15 =	smul.u32 $0x8100, s15;
	v3 =	vld [tilespmem:s19+$0x10]  }
0x2d: {  	s30 =	sand.u32 $0x1, s12;
	v2 =	vld [tilespmem:s19+$0xFFFFFFF0]  }
0x2e: {  	s16 =	smul.u32 $0x8100, s30;
	s15 =	sshrl.u32 s15, $0x2;
	v0 =	vld [tilespmem:s19+$0x0]  }
0x2f: {  	v1 =	vld [tilespmem:s19+$0xFFFFFFE0];
	s17 =	sor.u32 $0x4000, s15  }
0x30: {  	s31 =	sshrl.u32 s16, $0x2;
	s16 =	sadd.s32 $0x0, s17  }
0x31: {  	s18 =	simm.s32 $0x4;
	s19 =	sadd.s32 $0x40, s19;
	s15 =	sor.u32 $0x4000, s31;
	[tilespmem:s16+$0x1830 ss:$0x81] =	vst.msk $0xffff, v3  }
.LBB1_3:
0x32: {  	v3 =	vld [tilespmem:s19+$0x10];
	p1 =	sne.s32 s18, $0x1FC;
	[tilespmem:s16+$0x810 ss:$0x81] =	vst.msk $0xffff, v2;
	s20 =	smov.u32 s18;
	s18 =	sadd.s32 $0x4, s18  }
.Ltmp3:
0x33: {  	v2 =	vld [tilespmem:s19+$0xFFFFFFF0];
	[tilespmem:s16+$0x1020 ss:$0x81] =	vst.msk $0xffff, v0;
	(pc) =	sbr.rel @p1 .LBB1_3-.Ltmp3, $4  }
0x34: {  	v0 =	vld [tilespmem:s19+$0x0];
	[tilespmem:s16+$0x0 ss:$0x81] =	vst.msk $0xffff, v1  }
0x35: {  	s16 =	sshra.s32 s20, $0x2;
	v1 =	vld [tilespmem:s19+$0xFFFFFFE0]  }
0x36: {  	s16 =	sadd.s32 s16, s17  }
0x37: {  	s19 =	sadd.s32 $0x40, s19;
	[tilespmem:s16+$0x1830 ss:$0x81] =	vst.msk $0xffff, v3  }
.Ltmp4:
0x38: {  	_ = 	snop;
	(pc) =	sbr.rel .LBB1_4-.Ltmp4, $1  }
0x39: {  	_ =	sdelay $0x3  }
.LBB1_6:
0x3a: {  	_ =	sfence.sel $0x180000  }
0x3b: {  	s2 =	simm.s32 $0x1;
	[bflag:$0x0] =	sbarrier.arrive $0xFFFF  }
0x3c: {  	s31 =	simm.s32 $0x2;
	[sflag:s2] =	ssyncpa.u1 $0x1  }
0x3d: {  	[sflag:s31] =	ssyncpa.u1 $0x1  }
0x3e: {  	p0 =	sne.s32 s0, $0x0;
	_ =	strace $0x9000004A  }
0x3f: {  	s0 =	sadd.s32 @!p0 $0x100000, s1;
	[bflag:$0x2] =	sbarrier.arrive $0xFFFF  }
0x40: {  	[sflag:s0] =	ssyncadd.tile.s32 @!p0 $0x1;
	_ =	shalt  }
.Lfunc_end1:
_tile_overlayer_lowered:
.L_overlay_start_2:
0x41: {  	(tag) =	ssettag $0x2  }
0x42: {  	s0 =	rddreg [dreg:$0x0];
	s2 =	stileid.u32  }
0x43: {  	s1 =	rddreg [dreg:$0x1];
	p0 =	sne.s32 s2, $0x0  }
0x44: {  	s3 =	rddreg [dreg:$0x2];
	[bflag:$0x3] =	sbarrier.arrive $0xFFFF;
	s2 =	simm.s32 @!p0 $0x1C01  }
0x45: {  	[timem:s3], [sflag:s2] =	dma.local @!p0 [hbm:s0], s1  }
0x46: {  	s0 =	simm.s32 @!p0 $0x1  }
0x47: {  	_ =	swait.ge @!p0 [sflag:s0], s1  }
0x48: {  	s1 =	ssub.s32 @!p0 $0x0, s1;
	[sflag:s0] =	ssyncset.done @!p0 $0x0  }
0x49: {  	[sflag:s0] =	ssyncadd.s32 @!p0 s1  }
0x4a: {  	[bflag:$0x3] =	sbarrier.arrive $0xFFFF  }
0x4b: {  	_ =	shalt  }

</sc_bundles>
